<compile_context>
chip_gen: v7x
topology: tpu7x:2x2x1
jax: 0.10.2.dev20260603
libtpu: 0.0.44.dev20260713+nightly
codegen_flags: <defaults>
</compile_context>

<pallas_src>
import functools

import jax
import jax.numpy as jnp
from jax import lax
from jax.experimental import pallas as pl
from jax.experimental.pallas import tpu as pltpu
from jax.experimental.pallas import tpu_sc as plsc

P = 30000
MAX_PTS = 32
NUM_PV = 64
NX, NY, NZ = 432, 496, 1
BATCH = 2
PLANE = NZ * NY * NX
OUT_FLAT = BATCH * NUM_PV * PLANE
PILLAR_X, PILLAR_Y, PILLAR_Z = 0.16, 0.16, 4.0
X_OFF, Y_OFF, Z_OFF = 0.08, -39.6, -1.0

BLK = 512
NSTEP = (P + BLK - 1) // BLK
P_PAD = NSTEP * BLK
CHUNK = 128
NTILE = 32
CPT = 8
P_PAD2 = NTILE * CPT * CHUNK
TF = 256
TSTEP = PLANE // TF


def _tree(arr, op, width):
    w = arr.shape[1]
    while w > width:
        w //= 2
        arr = op(arr[:, :w], arr[:, w:2 * w])
    return arr


def _rtree(arr, op, stop):
    r = arr.shape[0]
    while r > stop:
        r //= 2
        arr = op(arr[:r], arr[r:2 * r])
    return arr


def _pfe_body(x_ref, aux_ref, wb_ref, wm_ref, wn_ref,
              xmax_ref, xmin_ref, stats_ref):
    i = pl.program_id(0)
    aux = aux_ref[...]
    y2 = lax.dot_general(wb_ref[...], x_ref[...], (((1,), (1,)), ((), ())),
                         preferred_element_type=jnp.float32)
    ych = y2[:2048]
    ymax = _rtree(ych, jnp.maximum, NUM_PV)
    ymin = _rtree(ych, jnp.minimum, NUM_PV)
    ysum = _rtree(ych, jnp.add, NUM_PV)
    ysq = _rtree(ych * ych, jnp.add, NUM_PV)
    sum_xyz = _rtree(y2[2048:], jnp.add, 4)[:3]
    mean_xyz = sum_xyz * aux[3:4]
    const = -(jnp.dot(wm_ref[...], mean_xyz, preferred_element_type=jnp.float32)
              + jnp.dot(wn_ref[...], aux[:3], preferred_element_type=jnp.float32))
    xmax_ref[...] = ymax + const
    xmin_ref[...] = ymin + const
    col = i * BLK + lax.broadcasted_iota(jnp.int32, (NUM_PV, BLK), 1)
    valid = col < P
    s1 = jnp.sum(jnp.where(valid, ysum + 32.0 * const, 0.0), axis=1)
    s2 = jnp.sum(jnp.where(valid, ysq + 2.0 * const * ysum + 32.0 * const * const, 0.0),
                 axis=1)
    @pl.when(i == 0)
    def _():
        stats_ref[...] = jnp.zeros_like(stats_ref)
    stats_ref[...] += jnp.stack([s1, s2])


def _affine_body(xmax_ref, xmin_ref, a_ref, b_ref, gpos_ref, pv_ref):
    a, b, gpos = a_ref[...], b_ref[...], gpos_ref[...]
    sel = jnp.where(gpos > 0.5, xmax_ref[...], xmin_ref[...])
    pvt = jnp.maximum(a * sel + b, 0.0).T
    pv_ref[...] = jnp.pad(pvt, ((0, 0), (0, NUM_PV)))


def _sc_scatter_body(pv_hbm, vidx_hbm, gidx_hbm, out_hbm,
                     vidx_v, gidx_v, row0_v, row1_v, lsem, g0, g1, s0, s1):
    k = lax.axis_index("c")
    s = lax.axis_index("s")
    wid = s * 2 + k
    rows = (row0_v, row1_v)
    gsem = (g0, g1)
    ssem = (s0, s1)
    pltpu.async_copy(vidx_hbm.at[wid], vidx_v, lsem).wait()
    pltpu.async_copy(gidx_hbm.at[wid], gidx_v, lsem).wait()
    gh = [None, None]
    sh = [None, None]
    for j in range(CPT):
        b = j % 2
        if sh[b] is not None:
            sh[b].wait()
        gh[b] = pltpu.async_copy(pv_hbm.at[vidx_v.at[j]], rows[b], gsem[b])
        gh[b].wait()
        sh[b] = pltpu.async_copy(rows[b], out_hbm.at[gidx_v.at[j]], ssem[b])
    for b in range(2):
        if sh[b] is not None:
            sh[b].wait()


def _transpose_body(x_ref, occ_ref, out_ref):
    x = x_ref[0, :, :NUM_PV]
    occ = occ_ref[0, 0]
    out_ref[0] = jnp.where(occ != 0, x.T, 0.0)


def kernel(pillars, W, gamma, beta, coords_z, coords_y, coords_x, num_points, batch_idx):
    f32, i32 = jnp.float32, jnp.int32
    x128 = pillars.reshape(P, MAX_PTS * 4)
    cx = coords_x.astype(f32) * PILLAR_X + X_OFF
    cy = coords_y.astype(f32) * PILLAR_Y + Y_OFF
    cz = coords_z.astype(f32) * PILLAR_Z + Z_OFF
    inv = 1.0 / jnp.maximum(num_points, 1).astype(f32)
    aux = jnp.stack([cx, cy, cz, inv])
    wc = jnp.concatenate([W[:, 0:3] + W[:, 4:7] + W[:, 7:10], W[:, 3:4]], axis=1)
    wm, wn = W[:, 4:7], W[:, 7:10]
    eye32 = jnp.eye(MAX_PTS, dtype=f32)
    wb = jnp.concatenate([jnp.kron(eye32, wc),
                          jnp.kron(eye32, jnp.eye(4, dtype=f32))], axis=0)

    xmaxT, xminT, stats = pl.pallas_call(
        _pfe_body,
        grid=(NSTEP,),
        in_specs=[
            pl.BlockSpec((BLK, MAX_PTS * 4), lambda i: (i, 0)),
            pl.BlockSpec((4, BLK), lambda i: (0, i)),
            pl.BlockSpec((2176, MAX_PTS * 4), lambda i: (0, 0)),
            pl.BlockSpec((NUM_PV, 3), lambda i: (0, 0)),
            pl.BlockSpec((NUM_PV, 3), lambda i: (0, 0)),
        ],
        out_specs=[
            pl.BlockSpec((NUM_PV, BLK), lambda i: (0, i)),
            pl.BlockSpec((NUM_PV, BLK), lambda i: (0, i)),
            pl.BlockSpec((2, NUM_PV), lambda i: (0, 0)),
        ],
        out_shape=[
            jax.ShapeDtypeStruct((NUM_PV, P_PAD), f32),
            jax.ShapeDtypeStruct((NUM_PV, P_PAD), f32),
            jax.ShapeDtypeStruct((2, NUM_PV), f32),
        ],
    )(x128, aux, wb, wm, wn)

    n = float(P * MAX_PTS)
    mean = stats[0] / n
    var = stats[1] / n - mean * mean
    a = gamma * lax.rsqrt(var + 1e-3)
    b = beta - mean * a
    gpos = (gamma >= 0.0).astype(f32)

    pv = pl.pallas_call(
        _affine_body,
        grid=(4,),
        in_specs=[
            pl.BlockSpec((NUM_PV, P_PAD // 4), lambda i: (0, i)),
            pl.BlockSpec((NUM_PV, P_PAD // 4), lambda i: (0, i)),
            pl.BlockSpec((NUM_PV, 1), lambda i: (0, 0)),
            pl.BlockSpec((NUM_PV, 1), lambda i: (0, 0)),
            pl.BlockSpec((NUM_PV, 1), lambda i: (0, 0)),
        ],
        out_specs=pl.BlockSpec((P_PAD // 4, 2 * NUM_PV), lambda i: (i, 0)),
        out_shape=jax.ShapeDtypeStruct((P_PAD, 2 * NUM_PV), f32),
    )(xmaxT, xminT, a[:, None], b[:, None], gpos[:, None])

    flat = coords_z.astype(i32) + coords_y.astype(i32) * NX + coords_x.astype(i32)
    g = batch_idx * PLANE + flat
    winner = jnp.full((BATCH * PLANE,), -1, i32).at[g].set(jnp.arange(P, dtype=i32))
    occ = (winner >= 0).astype(i32)
    vidx = winner[g]
    pad = P_PAD2 - P
    gidx_p = jnp.concatenate([g, jnp.full((pad,), g[-1], i32)]).reshape(
        NTILE, CPT, CHUNK)
    vidx_p = jnp.concatenate([vidx, jnp.full((pad,), vidx[-1], i32)]).reshape(
        NTILE, CPT, CHUNK)

    sc_scatter = functools.partial(
        pl.kernel,
        mesh=plsc.VectorSubcoreMesh(core_axis_name="c", subcore_axis_name="s"),
        out_type=jax.ShapeDtypeStruct((BATCH * PLANE, 2 * NUM_PV), f32),
        compiler_params=pltpu.CompilerParams(needs_layout_passes=False),
        scratch_types=[
            pltpu.VMEM((CPT, CHUNK), i32),
            pltpu.VMEM((CPT, CHUNK), i32),
            pltpu.VMEM((CHUNK, 2 * NUM_PV), f32),
            pltpu.VMEM((CHUNK, 2 * NUM_PV), f32),
            pltpu.SemaphoreType.DMA,
            pltpu.SemaphoreType.DMA,
            pltpu.SemaphoreType.DMA,
            pltpu.SemaphoreType.DMA,
            pltpu.SemaphoreType.DMA,
        ],
    )(_sc_scatter_body)
    scratch = sc_scatter(pv, vidx_p, gidx_p)

    bev = pl.pallas_call(
        _transpose_body,
        grid=(BATCH, TSTEP),
        in_specs=[
            pl.BlockSpec((1, TF, 2 * NUM_PV), lambda b, i: (b, i, 0)),
            pl.BlockSpec((1, 1, 1, TF), lambda b, i: (b, i, 0, 0)),
        ],
        out_specs=pl.BlockSpec((1, NUM_PV, TF), lambda b, i: (b, 0, i)),
        out_shape=jax.ShapeDtypeStruct((BATCH, NUM_PV, PLANE), f32),
    )(scratch.reshape(BATCH, PLANE, 2 * NUM_PV),
      occ.reshape(BATCH, TSTEP, 1, TF))
    return bev.reshape(BATCH, NUM_PV * NZ, NY, NX)

# --- scband reference (transcript-rebuilt; emitter-appended) ---
"""Pipeline reference for scband-pfe-59760174957086 (READ-ONLY COPY).

The authoritative reference and input builder live on the scoring server;
editing this copy changes nothing except your own understanding.
"""

import jax, jax.numpy as jnp
import numpy as np

# PointPillars-style config (input_channels=0 branch of PFE)
PILLAR_X, PILLAR_Y, PILLAR_Z = 0.16, 0.16, 4.0
PCR = np.array([0.0, -39.68, -3.0, 69.12, 39.68, 1.0])
NX, NY, NZ = 432, 496, 1  # round((pcr[3:6]-pcr[0:3])/pillar_size)
X_OFF = PILLAR_X / 2 + PCR[0]   # 0.08
Y_OFF = PILLAR_Y / 2 + PCR[1]   # -39.6
Z_OFF = PILLAR_Z / 2 + PCR[2]   # -1.0
NUM_PV = 64
IN_CH = 10  # 4 base + 3 to_cluster + 3 to_center
BATCH = 2
P = 30000
MAX_PTS = 32


def setup_inputs(seed: int = 0) -> dict:
    key = jax.random.key(seed)
    k = jax.random.split(key, 8)
    pillars = jax.random.normal(k[0], (P, MAX_PTS, 4), dtype=jnp.float32)
    coords_z = jax.random.randint(k[1], (P,), 0, NZ, dtype=jnp.int64 if jax.config.jax_enable_x64 else jnp.int32).astype(jnp.int32)
    coords_y = jax.random.randint(k[2], (P,), 0, NY).astype(jnp.int32)
    coords_x = jax.random.randint(k[3], (P,), 0, NX).astype(jnp.int32)
    num_points = jax.random.randint(k[4], (P,), 0, MAX_PTS).astype(jnp.int32)
    batch_idx = jax.random.randint(k[5], (P,), 0, BATCH).astype(jnp.int32)
    W = jax.random.normal(k[6], (NUM_PV, IN_CH), dtype=jnp.float32) * 0.05
    gamma = jnp.ones((NUM_PV,), dtype=jnp.float32)
    beta = jnp.zeros((NUM_PV,), dtype=jnp.float32)
    return {"pillars": pillars, "W": W, "gamma": gamma, "beta": beta,
            "coords_z": coords_z, "coords_y": coords_y, "coords_x": coords_x,
            "num_points": num_points, "batch_idx": batch_idx}


def reference(pillars, W, gamma, beta, coords_z, coords_y, coords_x, num_points, batch_idx):
    # ---- feature augmentation (PFE) ----
    npts = jnp.maximum(num_points, 1).astype(jnp.float32)
    xyz = pillars[:, :, :3]
    mean_xyz = xyz.sum(axis=1, keepdims=True) / npts[:, None, None]
    xyz_to_cluster = xyz - mean_xyz
    cx = coords_x.astype(jnp.float32)[:, None] * PILLAR_X + X_OFF
    cy = coords_y.astype(jnp.float32)[:, None] * PILLAR_Y + Y_OFF
    cz = coords_z.astype(jnp.float32)[:, None] * PILLAR_Z + Z_OFF
    xyz_to_center = jnp.stack([xyz[:, :, 0] - cx, xyz[:, :, 1] - cy, xyz[:, :, 2] - cz], axis=-1)
    feats = jnp.concatenate([pillars, xyz_to_cluster, xyz_to_center], axis=-1)  # [P, 32, 10]
    # ---- PFNLayer: linear (no bias) -> BatchNorm1d (train-mode batch stats) -> relu -> max over points ----
    x = feats @ W.T  # [P, 32, 64]
    mean = x.mean(axis=(0, 1))
    var = x.var(axis=(0, 1))  # biased, like torch BN normalization
    x = (x - mean) / jnp.sqrt(var + 1e-3) * gamma + beta
    x = jax.nn.relu(x)
    pv_features = x.max(axis=1)  # [P, 64]
    # ---- scatter into BEV grid (overwrite) ----
    # torch: indices = coords[:,1] + coords[:,2]*nx + coords[:,3] with coords=(b,z,y,x)
    flat_idx = coords_z.astype(jnp.int32) + coords_y.astype(jnp.int32) * NX + coords_x.astype(jnp.int32)
    bev = jnp.zeros((BATCH, NZ * NY * NX, NUM_PV), dtype=pv_features.dtype)
    bev = bev.at[batch_idx, flat_idx].set(pv_features)
    bev = jnp.transpose(bev, (0, 2, 1)).reshape(BATCH, NUM_PV * NZ, NY, NX)
    return bev

if __name__ == "__main__":
    import jax
    _d = setup_inputs()
    print(jax.jit(kernel)(*tuple(_d.values())))

</pallas_src>

<mosaic_0001>
#map = affine_map<(d0, d1) -> (0, 0)>
#map1 = affine_map<(d0, d1) -> (0, 0, 0)>
module attributes {stable_mosaic.version = 14 : i64} {
  func.func @_sc_scatter_body(%arg0: i32, %arg1: i32, %arg2: memref<30208x128xf32, #tpu.memory_space<hbm>>, %arg3: memref<32x8x128xi32, #tpu.memory_space<hbm>>, %arg4: memref<32x8x128xi32, #tpu.memory_space<hbm>>, %arg5: memref<428544x128xf32, #tpu.memory_space<hbm>>, %arg6: memref<8x128xi32, #tpu.memory_space<vmem>>, %arg7: memref<8x128xi32, #tpu.memory_space<vmem>>, %arg8: memref<128x128xf32, #tpu.memory_space<vmem>>, %arg9: memref<128x128xf32, #tpu.memory_space<vmem>>, %arg10: memref<!tpu.dma_semaphore, #tpu.memory_space<semaphore_mem>>, %arg11: memref<!tpu.dma_semaphore, #tpu.memory_space<semaphore_mem>>, %arg12: memref<!tpu.dma_semaphore, #tpu.memory_space<semaphore_mem>>, %arg13: memref<!tpu.dma_semaphore, #tpu.memory_space<semaphore_mem>>, %arg14: memref<!tpu.dma_semaphore, #tpu.memory_space<semaphore_mem>>) attributes {dimension_semantics = [#tpu.dimension_semantics<core_parallel>, #tpu.dimension_semantics<subcore_parallel>], iteration_bounds = array<i64: 2, 16>, scalar_prefetch = 0 : i64, scratch_operands = 9 : i64, tpu.core_type = #tpu.core_type<sc_vector_subcore>, window_params = [{transform_indices = #map}, {transform_indices = #map1}, {transform_indices = #map1}, {transform_indices = #map}]} {
    %mul3A = arith.constant 2 : i32
    %mul3A_0 = arith.muli %arg1, %mul3A : i32
    %add3A = arith.addi %mul3A_0, %arg0 : i32
    %dma_start3A = arith.constant 0 : i32
    %dma_start3A_1 = arith.constant 0 : i32
    %dma_start3A_2 = tpu.memref_slice %arg3[%add3A, %dma_start3A, %dma_start3A_1] : memref<32x8x128xi32, #tpu.memory_space<hbm>> -> memref<1x8x128xi32, #tpu.memory_space<hbm>>
    %dma_start3A_3 = tpu.memref_squeeze %dma_start3A_2 : memref<1x8x128xi32, #tpu.memory_space<hbm>> -> memref<8x128xi32, #tpu.memory_space<hbm>>
    %dma_start3A_4 = arith.constant 0 : i32
    %dma_start3A_5 = arith.constant 0 : i32
    %dma_start3A_6 = tpu.memref_slice %arg3[%add3A, %dma_start3A_4, %dma_start3A_5] : memref<32x8x128xi32, #tpu.memory_space<hbm>> -> memref<1x8x128xi32, #tpu.memory_space<hbm>>
    %dma_start3A_7 = tpu.memref_squeeze %dma_start3A_6 : memref<1x8x128xi32, #tpu.memory_space<hbm>> -> memref<8x128xi32, #tpu.memory_space<hbm>>
    tpu.enqueue_dma source(%dma_start3A_7 : memref<8x128xi32, #tpu.memory_space<hbm>>) target(%arg6 : memref<8x128xi32, #tpu.memory_space<vmem>>) target_semaphore(%arg10 : memref<!tpu.dma_semaphore, #tpu.memory_space<semaphore_mem>>)
    %dma_wait3A = arith.constant 0 : i32
    %dma_wait3A_8 = arith.constant 0 : i32
    %dma_wait3A_9 = tpu.memref_slice %arg3[%add3A, %dma_wait3A, %dma_wait3A_8] : memref<32x8x128xi32, #tpu.memory_space<hbm>> -> memref<1x8x128xi32, #tpu.memory_space<hbm>>
    %dma_wait3A_10 = tpu.memref_squeeze %dma_wait3A_9 : memref<1x8x128xi32, #tpu.memory_space<hbm>> -> memref<8x128xi32, #tpu.memory_space<hbm>>
    %dma_wait3A_11 = arith.constant 0 : i32
    %dma_wait3A_12 = arith.constant 0 : i32
    %dma_wait3A_13 = tpu.memref_slice %arg3[%add3A, %dma_wait3A_11, %dma_wait3A_12] : memref<32x8x128xi32, #tpu.memory_space<hbm>> -> memref<1x8x128xi32, #tpu.memory_space<hbm>>
    %dma_wait3A_14 = tpu.memref_squeeze %dma_wait3A_13 : memref<1x8x128xi32, #tpu.memory_space<hbm>> -> memref<8x128xi32, #tpu.memory_space<hbm>>
    tpu.wait_dma2 semaphore(%arg10 : memref<!tpu.dma_semaphore, #tpu.memory_space<semaphore_mem>>) src(%dma_wait3A_14 : memref<8x128xi32, #tpu.memory_space<hbm>>) dst(%arg6 : memref<8x128xi32, #tpu.memory_space<vmem>>)
    %dma_start3A_15 = arith.constant 0 : i32
    %dma_start3A_16 = arith.constant 0 : i32
    %dma_start3A_17 = tpu.memref_slice %arg4[%add3A, %dma_start3A_15, %dma_start3A_16] : memref<32x8x128xi32, #tpu.memory_space<hbm>> -> memref<1x8x128xi32, #tpu.memory_space<hbm>>
    %dma_start3A_18 = tpu.memref_squeeze %dma_start3A_17 : memref<1x8x128xi32, #tpu.memory_space<hbm>> -> memref<8x128xi32, #tpu.memory_space<hbm>>
    %dma_start3A_19 = arith.constant 0 : i32
    %dma_start3A_20 = arith.constant 0 : i32
    %dma_start3A_21 = tpu.memref_slice %arg4[%add3A, %dma_start3A_19, %dma_start3A_20] : memref<32x8x128xi32, #tpu.memory_space<hbm>> -> memref<1x8x128xi32, #tpu.memory_space<hbm>>
    %dma_start3A_22 = tpu.memref_squeeze %dma_start3A_21 : memref<1x8x128xi32, #tpu.memory_space<hbm>> -> memref<8x128xi32, #tpu.memory_space<hbm>>
    tpu.enqueue_dma source(%dma_start3A_22 : memref<8x128xi32, #tpu.memory_space<hbm>>) target(%arg7 : memref<8x128xi32, #tpu.memory_space<vmem>>) target_semaphore(%arg10 : memref<!tpu.dma_semaphore, #tpu.memory_space<semaphore_mem>>)
    %dma_wait3A_23 = arith.constant 0 : i32
    %dma_wait3A_24 = arith.constant 0 : i32
    %dma_wait3A_25 = tpu.memref_slice %arg4[%add3A, %dma_wait3A_23, %dma_wait3A_24] : memref<32x8x128xi32, #tpu.memory_space<hbm>> -> memref<1x8x128xi32, #tpu.memory_space<hbm>>
    %dma_wait3A_26 = tpu.memref_squeeze %dma_wait3A_25 : memref<1x8x128xi32, #tpu.memory_space<hbm>> -> memref<8x128xi32, #tpu.memory_space<hbm>>
    %dma_wait3A_27 = arith.constant 0 : i32
    %dma_wait3A_28 = arith.constant 0 : i32
    %dma_wait3A_29 = tpu.memref_slice %arg4[%add3A, %dma_wait3A_27, %dma_wait3A_28] : memref<32x8x128xi32, #tpu.memory_space<hbm>> -> memref<1x8x128xi32, #tpu.memory_space<hbm>>
    %dma_wait3A_30 = tpu.memref_squeeze %dma_wait3A_29 : memref<1x8x128xi32, #tpu.memory_space<hbm>> -> memref<8x128xi32, #tpu.memory_space<hbm>>
    tpu.wait_dma2 semaphore(%arg10 : memref<!tpu.dma_semaphore, #tpu.memory_space<semaphore_mem>>) src(%dma_wait3A_30 : memref<8x128xi32, #tpu.memory_space<hbm>>) dst(%arg7 : memref<8x128xi32, #tpu.memory_space<vmem>>)
    %dma_start3A_31 = arith.constant 0 : i32
    %dma_start3A_32 = arith.constant 0 : i32
    %dma_start3A_33 = tpu.memref_slice %arg6[%dma_start3A_31, %dma_start3A_32] : memref<8x128xi32, #tpu.memory_space<vmem>> -> memref<1x128xi32, #tpu.memory_space<vmem>>
    %dma_start3A_34 = tpu.memref_squeeze %dma_start3A_33 : memref<1x128xi32, #tpu.memory_space<vmem>> -> memref<128xi32, #tpu.memory_space<vmem>>
    %dma_start3A_35 = arith.constant 0 : i32
    %dma_start3A_36 = arith.constant 0 : i32
    %dma_start3A_37 = tpu.memref_slice %arg2[%dma_start3A_35, %dma_start3A_36] : memref<30208x128xf32, #tpu.memory_space<hbm>> -> memref<30208x128xf32, #tpu.memory_space<hbm>>
    tpu.enqueue_indirect_dma source(%dma_start3A_37 : memref<30208x128xf32, #tpu.memory_space<hbm>>) target(%arg8 : memref<128x128xf32, #tpu.memory_space<vmem>>) offsets(%dma_start3A_34 : memref<128xi32, #tpu.memory_space<vmem>>) semaphore(%arg11 : memref<!tpu.dma_semaphore, #tpu.memory_space<semaphore_mem>>)
    %dma_wait3A_38 = arith.constant 0 : i32
    %dma_wait3A_39 = arith.constant 0 : i32
    %dma_wait3A_40 = tpu.memref_slice %arg6[%dma_wait3A_38, %dma_wait3A_39] : memref<8x128xi32, #tpu.memory_space<vmem>> -> memref<1x128xi32, #tpu.memory_space<vmem>>
    %dma_wait3A_41 = tpu.memref_squeeze %dma_wait3A_40 : memref<1x128xi32, #tpu.memory_space<vmem>> -> memref<128xi32, #tpu.memory_space<vmem>>
    %dma_wait3A_42 = arith.constant 0 : i32
    %dma_wait3A_43 = arith.constant 0 : i32
    %dma_wait3A_44 = tpu.memref_slice %arg2[%dma_wait3A_42, %dma_wait3A_43] : memref<30208x128xf32, #tpu.memory_space<hbm>> -> memref<30208x128xf32, #tpu.memory_space<hbm>>
    tpu.wait_indirect_dma semaphore(%arg11 : memref<!tpu.dma_semaphore, #tpu.memory_space<semaphore_mem>>) src(%dma_wait3A_44 : memref<30208x128xf32, #tpu.memory_space<hbm>>) dst(%arg8 : memref<128x128xf32, #tpu.memory_space<vmem>>)
    %dma_start3A_45 = arith.constant 0 : i32
    %dma_start3A_46 = arith.constant 0 : i32
    %dma_start3A_47 = tpu.memref_slice %arg7[%dma_start3A_45, %dma_start3A_46] : memref<8x128xi32, #tpu.memory_space<vmem>> -> memref<1x128xi32, #tpu.memory_space<vmem>>
    %dma_start3A_48 = tpu.memref_squeeze %dma_start3A_47 : memref<1x128xi32, #tpu.memory_space<vmem>> -> memref<128xi32, #tpu.memory_space<vmem>>
    %dma_start3A_49 = arith.constant 0 : i32
    %dma_start3A_50 = arith.constant 0 : i32
    %dma_start3A_51 = tpu.memref_slice %arg5[%dma_start3A_49, %dma_start3A_50] : memref<428544x128xf32, #tpu.memory_space<hbm>> -> memref<428544x128xf32, #tpu.memory_space<hbm>>
    tpu.enqueue_indirect_dma source(%arg8 : memref<128x128xf32, #tpu.memory_space<vmem>>) target(%dma_start3A_51 : memref<428544x128xf32, #tpu.memory_space<hbm>>) offsets(%dma_start3A_48 : memref<128xi32, #tpu.memory_space<vmem>>) semaphore(%arg13 : memref<!tpu.dma_semaphore, #tpu.memory_space<semaphore_mem>>)
    %dma_start3A_52 = arith.constant 1 : i32
    %dma_start3A_53 = arith.constant 0 : i32
    %dma_start3A_54 = tpu.memref_slice %arg6[%dma_start3A_52, %dma_start3A_53] : memref<8x128xi32, #tpu.memory_space<vmem>> -> memref<1x128xi32, #tpu.memory_space<vmem>>
    %dma_start3A_55 = tpu.memref_squeeze %dma_start3A_54 : memref<1x128xi32, #tpu.memory_space<vmem>> -> memref<128xi32, #tpu.memory_space<vmem>>
    %dma_start3A_56 = arith.constant 0 : i32
    %dma_start3A_57 = arith.constant 0 : i32
    %dma_start3A_58 = tpu.memref_slice %arg2[%dma_start3A_56, %dma_start3A_57] : memref<30208x128xf32, #tpu.memory_space<hbm>> -> memref<30208x128xf32, #tpu.memory_space<hbm>>
    tpu.enqueue_indirect_dma source(%dma_start3A_58 : memref<30208x128xf32, #tpu.memory_space<hbm>>) target(%arg9 : memref<128x128xf32, #tpu.memory_space<vmem>>) offsets(%dma_start3A_55 : memref<128xi32, #tpu.memory_space<vmem>>) semaphore(%arg12 : memref<!tpu.dma_semaphore, #tpu.memory_space<semaphore_mem>>)
    %dma_wait3A_59 = arith.constant 1 : i32
    %dma_wait3A_60 = arith.constant 0 : i32
    %dma_wait3A_61 = tpu.memref_slice %arg6[%dma_wait3A_59, %dma_wait3A_60] : memref<8x128xi32, #tpu.memory_space<vmem>> -> memref<1x128xi32, #tpu.memory_space<vmem>>
    %dma_wait3A_62 = tpu.memref_squeeze %dma_wait3A_61 : memref<1x128xi32, #tpu.memory_space<vmem>> -> memref<128xi32, #tpu.memory_space<vmem>>
    %dma_wait3A_63 = arith.constant 0 : i32
    %dma_wait3A_64 = arith.constant 0 : i32
    %dma_wait3A_65 = tpu.memref_slice %arg2[%dma_wait3A_63, %dma_wait3A_64] : memref<30208x128xf32, #tpu.memory_space<hbm>> -> memref<30208x128xf32, #tpu.memory_space<hbm>>
    tpu.wait_indirect_dma semaphore(%arg12 : memref<!tpu.dma_semaphore, #tpu.memory_space<semaphore_mem>>) src(%dma_wait3A_65 : memref<30208x128xf32, #tpu.memory_space<hbm>>) dst(%arg9 : memref<128x128xf32, #tpu.memory_space<vmem>>)
    %dma_start3A_66 = arith.constant 1 : i32
    %dma_start3A_67 = arith.constant 0 : i32
    %dma_start3A_68 = tpu.memref_slice %arg7[%dma_start3A_66, %dma_start3A_67] : memref<8x128xi32, #tpu.memory_space<vmem>> -> memref<1x128xi32, #tpu.memory_space<vmem>>
    %dma_start3A_69 = tpu.memref_squeeze %dma_start3A_68 : memref<1x128xi32, #tpu.memory_space<vmem>> -> memref<128xi32, #tpu.memory_space<vmem>>
    %dma_start3A_70 = arith.constant 0 : i32
    %dma_start3A_71 = arith.constant 0 : i32
    %dma_start3A_72 = tpu.memref_slice %arg5[%dma_start3A_70, %dma_start3A_71] : memref<428544x128xf32, #tpu.memory_space<hbm>> -> memref<428544x128xf32, #tpu.memory_space<hbm>>
    tpu.enqueue_indirect_dma source(%arg9 : memref<128x128xf32, #tpu.memory_space<vmem>>) target(%dma_start3A_72 : memref<428544x128xf32, #tpu.memory_space<hbm>>) offsets(%dma_start3A_69 : memref<128xi32, #tpu.memory_space<vmem>>) semaphore(%arg14 : memref<!tpu.dma_semaphore, #tpu.memory_space<semaphore_mem>>)
    %dma_wait3A_73 = arith.constant 0 : i32
    %dma_wait3A_74 = arith.constant 0 : i32
    %dma_wait3A_75 = tpu.memref_slice %arg7[%dma_wait3A_73, %dma_wait3A_74] : memref<8x128xi32, #tpu.memory_space<vmem>> -> memref<1x128xi32, #tpu.memory_space<vmem>>
    %dma_wait3A_76 = tpu.memref_squeeze %dma_wait3A_75 : memref<1x128xi32, #tpu.memory_space<vmem>> -> memref<128xi32, #tpu.memory_space<vmem>>
    %dma_wait3A_77 = arith.constant 0 : i32
    %dma_wait3A_78 = arith.constant 0 : i32
    %dma_wait3A_79 = tpu.memref_slice %arg5[%dma_wait3A_77, %dma_wait3A_78] : memref<428544x128xf32, #tpu.memory_space<hbm>> -> memref<428544x128xf32, #tpu.memory_space<hbm>>
    tpu.wait_indirect_dma semaphore(%arg13 : memref<!tpu.dma_semaphore, #tpu.memory_space<semaphore_mem>>) src(%arg8 : memref<128x128xf32, #tpu.memory_space<vmem>>) dst(%dma_wait3A_79 : memref<428544x128xf32, #tpu.memory_space<hbm>>)
    %dma_start3A_80 = arith.constant 2 : i32
    %dma_start3A_81 = arith.constant 0 : i32
    %dma_start3A_82 = tpu.memref_slice %arg6[%dma_start3A_80, %dma_start3A_81] : memref<8x128xi32, #tpu.memory_space<vmem>> -> memref<1x128xi32, #tpu.memory_space<vmem>>
    %dma_start3A_83 = tpu.memref_squeeze %dma_start3A_82 : memref<1x128xi32, #tpu.memory_space<vmem>> -> memref<128xi32, #tpu.memory_space<vmem>>
    %dma_start3A_84 = arith.constant 0 : i32
    %dma_start3A_85 = arith.constant 0 : i32
    %dma_start3A_86 = tpu.memref_slice %arg2[%dma_start3A_84, %dma_start3A_85] : memref<30208x128xf32, #tpu.memory_space<hbm>> -> memref<30208x128xf32, #tpu.memory_space<hbm>>
    tpu.enqueue_indirect_dma source(%dma_start3A_86 : memref<30208x128xf32, #tpu.memory_space<hbm>>) target(%arg8 : memref<128x128xf32, #tpu.memory_space<vmem>>) offsets(%dma_start3A_83 : memref<128xi32, #tpu.memory_space<vmem>>) semaphore(%arg11 : memref<!tpu.dma_semaphore, #tpu.memory_space<semaphore_mem>>)
    %dma_wait3A_87 = arith.constant 2 : i32
    %dma_wait3A_88 = arith.constant 0 : i32
    %dma_wait3A_89 = tpu.memref_slice %arg6[%dma_wait3A_87, %dma_wait3A_88] : memref<8x128xi32, #tpu.memory_space<vmem>> -> memref<1x128xi32, #tpu.memory_space<vmem>>
    %dma_wait3A_90 = tpu.memref_squeeze %dma_wait3A_89 : memref<1x128xi32, #tpu.memory_space<vmem>> -> memref<128xi32, #tpu.memory_space<vmem>>
    %dma_wait3A_91 = arith.constant 0 : i32
    %dma_wait3A_92 = arith.constant 0 : i32
    %dma_wait3A_93 = tpu.memref_slice %arg2[%dma_wait3A_91, %dma_wait3A_92] : memref<30208x128xf32, #tpu.memory_space<hbm>> -> memref<30208x128xf32, #tpu.memory_space<hbm>>
    tpu.wait_indirect_dma semaphore(%arg11 : memref<!tpu.dma_semaphore, #tpu.memory_space<semaphore_mem>>) src(%dma_wait3A_93 : memref<30208x128xf32, #tpu.memory_space<hbm>>) dst(%arg8 : memref<128x128xf32, #tpu.memory_space<vmem>>)
    %dma_start3A_94 = arith.constant 2 : i32
    %dma_start3A_95 = arith.constant 0 : i32
    %dma_start3A_96 = tpu.memref_slice %arg7[%dma_start3A_94, %dma_start3A_95] : memref<8x128xi32, #tpu.memory_space<vmem>> -> memref<1x128xi32, #tpu.memory_space<vmem>>
    %dma_start3A_97 = tpu.memref_squeeze %dma_start3A_96 : memref<1x128xi32, #tpu.memory_space<vmem>> -> memref<128xi32, #tpu.memory_space<vmem>>
    %dma_start3A_98 = arith.constant 0 : i32
    %dma_start3A_99 = arith.constant 0 : i32
    %dma_start3A_100 = tpu.memref_slice %arg5[%dma_start3A_98, %dma_start3A_99] : memref<428544x128xf32, #tpu.memory_space<hbm>> -> memref<428544x128xf32, #tpu.memory_space<hbm>>
    tpu.enqueue_indirect_dma source(%arg8 : memref<128x128xf32, #tpu.memory_space<vmem>>) target(%dma_start3A_100 : memref<428544x128xf32, #tpu.memory_space<hbm>>) offsets(%dma_start3A_97 : memref<128xi32, #tpu.memory_space<vmem>>) semaphore(%arg13 : memref<!tpu.dma_semaphore, #tpu.memory_space<semaphore_mem>>)
    %dma_wait3A_101 = arith.constant 1 : i32
    %dma_wait3A_102 = arith.constant 0 : i32
    %dma_wait3A_103 = tpu.memref_slice %arg7[%dma_wait3A_101, %dma_wait3A_102] : memref<8x128xi32, #tpu.memory_space<vmem>> -> memref<1x128xi32, #tpu.memory_space<vmem>>
    %dma_wait3A_104 = tpu.memref_squeeze %dma_wait3A_103 : memref<1x128xi32, #tpu.memory_space<vmem>> -> memref<128xi32, #tpu.memory_space<vmem>>
    %dma_wait3A_105 = arith.constant 0 : i32
    %dma_wait3A_106 = arith.constant 0 : i32
    %dma_wait3A_107 = tpu.memref_slice %arg5[%dma_wait3A_105, %dma_wait3A_106] : memref<428544x128xf32, #tpu.memory_space<hbm>> -> memref<428544x128xf32, #tpu.memory_space<hbm>>
    tpu.wait_indirect_dma semaphore(%arg14 : memref<!tpu.dma_semaphore, #tpu.memory_space<semaphore_mem>>) src(%arg9 : memref<128x128xf32, #tpu.memory_space<vmem>>) dst(%dma_wait3A_107 : memref<428544x128xf32, #tpu.memory_space<hbm>>)
    %dma_start3A_108 = arith.constant 3 : i32
    %dma_start3A_109 = arith.constant 0 : i32
    %dma_start3A_110 = tpu.memref_slice %arg6[%dma_start3A_108, %dma_start3A_109] : memref<8x128xi32, #tpu.memory_space<vmem>> -> memref<1x128xi32, #tpu.memory_space<vmem>>
    %dma_start3A_111 = tpu.memref_squeeze %dma_start3A_110 : memref<1x128xi32, #tpu.memory_space<vmem>> -> memref<128xi32, #tpu.memory_space<vmem>>
    %dma_start3A_112 = arith.constant 0 : i32
    %dma_start3A_113 = arith.constant 0 : i32
    %dma_start3A_114 = tpu.memref_slice %arg2[%dma_start3A_112, %dma_start3A_113] : memref<30208x128xf32, #tpu.memory_space<hbm>> -> memref<30208x128xf32, #tpu.memory_space<hbm>>
    tpu.enqueue_indirect_dma source(%dma_start3A_114 : memref<30208x128xf32, #tpu.memory_space<hbm>>) target(%arg9 : memref<128x128xf32, #tpu.memory_space<vmem>>) offsets(%dma_start3A_111 : memref<128xi32, #tpu.memory_space<vmem>>) semaphore(%arg12 : memref<!tpu.dma_semaphore, #tpu.memory_space<semaphore_mem>>)
    %dma_wait3A_115 = arith.constant 3 : i32
    %dma_wait3A_116 = arith.constant 0 : i32
    %dma_wait3A_117 = tpu.memref_slice %arg6[%dma_wait3A_115, %dma_wait3A_116] : memref<8x128xi32, #tpu.memory_space<vmem>> -> memref<1x128xi32, #tpu.memory_space<vmem>>
    %dma_wait3A_118 = tpu.memref_squeeze %dma_wait3A_117 : memref<1x128xi32, #tpu.memory_space<vmem>> -> memref<128xi32, #tpu.memory_space<vmem>>
    %dma_wait3A_119 = arith.constant 0 : i32
    %dma_wait3A_120 = arith.constant 0 : i32
    %dma_wait3A_121 = tpu.memref_slice %arg2[%dma_wait3A_119, %dma_wait3A_120] : memref<30208x128xf32, #tpu.memory_space<hbm>> -> memref<30208x128xf32, #tpu.memory_space<hbm>>
    tpu.wait_indirect_dma semaphore(%arg12 : memref<!tpu.dma_semaphore, #tpu.memory_space<semaphore_mem>>) src(%dma_wait3A_121 : memref<30208x128xf32, #tpu.memory_space<hbm>>) dst(%arg9 : memref<128x128xf32, #tpu.memory_space<vmem>>)
    %dma_start3A_122 = arith.constant 3 : i32
    %dma_start3A_123 = arith.constant 0 : i32
    %dma_start3A_124 = tpu.memref_slice %arg7[%dma_start3A_122, %dma_start3A_123] : memref<8x128xi32, #tpu.memory_space<vmem>> -> memref<1x128xi32, #tpu.memory_space<vmem>>
    %dma_start3A_125 = tpu.memref_squeeze %dma_start3A_124 : memref<1x128xi32, #tpu.memory_space<vmem>> -> memref<128xi32, #tpu.memory_space<vmem>>
    %dma_start3A_126 = arith.constant 0 : i32
    %dma_start3A_127 = arith.constant 0 : i32
    %dma_start3A_128 = tpu.memref_slice %arg5[%dma_start3A_126, %dma_start3A_127] : memref<428544x128xf32, #tpu.memory_space<hbm>> -> memref<428544x128xf32, #tpu.memory_space<hbm>>
    tpu.enqueue_indirect_dma source(%arg9 : memref<128x128xf32, #tpu.memory_space<vmem>>) target(%dma_start3A_128 : memref<428544x128xf32, #tpu.memory_space<hbm>>) offsets(%dma_start3A_125 : memref<128xi32, #tpu.memory_space<vmem>>) semaphore(%arg14 : memref<!tpu.dma_semaphore, #tpu.memory_space<semaphore_mem>>)
    %dma_wait3A_129 = arith.constant 2 : i32
    %dma_wait3A_130 = arith.constant 0 : i32
    %dma_wait3A_131 = tpu.memref_slice %arg7[%dma_wait3A_129, %dma_wait3A_130] : memref<8x128xi32, #tpu.memory_space<vmem>> -> memref<1x128xi32, #tpu.memory_space<vmem>>
    %dma_wait3A_132 = tpu.memref_squeeze %dma_wait3A_131 : memref<1x128xi32, #tpu.memory_space<vmem>> -> memref<128xi32, #tpu.memory_space<vmem>>
    %dma_wait3A_133 = arith.constant 0 : i32
    %dma_wait3A_134 = arith.constant 0 : i32
    %dma_wait3A_135 = tpu.memref_slice %arg5[%dma_wait3A_133, %dma_wait3A_134] : memref<428544x128xf32, #tpu.memory_space<hbm>> -> memref<428544x128xf32, #tpu.memory_space<hbm>>
    tpu.wait_indirect_dma semaphore(%arg13 : memref<!tpu.dma_semaphore, #tpu.memory_space<semaphore_mem>>) src(%arg8 : memref<128x128xf32, #tpu.memory_space<vmem>>) dst(%dma_wait3A_135 : memref<428544x128xf32, #tpu.memory_space<hbm>>)
    %dma_start3A_136 = arith.constant 4 : i32
    %dma_start3A_137 = arith.constant 0 : i32
    %dma_start3A_138 = tpu.memref_slice %arg6[%dma_start3A_136, %dma_start3A_137] : memref<8x128xi32, #tpu.memory_space<vmem>> -> memref<1x128xi32, #tpu.memory_space<vmem>>
    %dma_start3A_139 = tpu.memref_squeeze %dma_start3A_138 : memref<1x128xi32, #tpu.memory_space<vmem>> -> memref<128xi32, #tpu.memory_space<vmem>>
    %dma_start3A_140 = arith.constant 0 : i32
    %dma_start3A_141 = arith.constant 0 : i32
    %dma_start3A_142 = tpu.memref_slice %arg2[%dma_start3A_140, %dma_start3A_141] : memref<30208x128xf32, #tpu.memory_space<hbm>> -> memref<30208x128xf32, #tpu.memory_space<hbm>>
    tpu.enqueue_indirect_dma source(%dma_start3A_142 : memref<30208x128xf32, #tpu.memory_space<hbm>>) target(%arg8 : memref<128x128xf32, #tpu.memory_space<vmem>>) offsets(%dma_start3A_139 : memref<128xi32, #tpu.memory_space<vmem>>) semaphore(%arg11 : memref<!tpu.dma_semaphore, #tpu.memory_space<semaphore_mem>>)
    %dma_wait3A_143 = arith.constant 4 : i32
    %dma_wait3A_144 = arith.constant 0 : i32
    %dma_wait3A_145 = tpu.memref_slice %arg6[%dma_wait3A_143, %dma_wait3A_144] : memref<8x128xi32, #tpu.memory_space<vmem>> -> memref<1x128xi32, #tpu.memory_space<vmem>>
    %dma_wait3A_146 = tpu.memref_squeeze %dma_wait3A_145 : memref<1x128xi32, #tpu.memory_space<vmem>> -> memref<128xi32, #tpu.memory_space<vmem>>
    %dma_wait3A_147 = arith.constant 0 : i32
    %dma_wait3A_148 = arith.constant 0 : i32
    %dma_wait3A_149 = tpu.memref_slice %arg2[%dma_wait3A_147, %dma_wait3A_148] : memref<30208x128xf32, #tpu.memory_space<hbm>> -> memref<30208x128xf32, #tpu.memory_space<hbm>>
    tpu.wait_indirect_dma semaphore(%arg11 : memref<!tpu.dma_semaphore, #tpu.memory_space<semaphore_mem>>) src(%dma_wait3A_149 : memref<30208x128xf32, #tpu.memory_space<hbm>>) dst(%arg8 : memref<128x128xf32, #tpu.memory_space<vmem>>)
    %dma_start3A_150 = arith.constant 4 : i32
    %dma_start3A_151 = arith.constant 0 : i32
    %dma_start3A_152 = tpu.memref_slice %arg7[%dma_start3A_150, %dma_start3A_151] : memref<8x128xi32, #tpu.memory_space<vmem>> -> memref<1x128xi32, #tpu.memory_space<vmem>>
    %dma_start3A_153 = tpu.memref_squeeze %dma_start3A_152 : memref<1x128xi32, #tpu.memory_space<vmem>> -> memref<128xi32, #tpu.memory_space<vmem>>
    %dma_start3A_154 = arith.constant 0 : i32
    %dma_start3A_155 = arith.constant 0 : i32
    %dma_start3A_156 = tpu.memref_slice %arg5[%dma_start3A_154, %dma_start3A_155] : memref<428544x128xf32, #tpu.memory_space<hbm>> -> memref<428544x128xf32, #tpu.memory_space<hbm>>
    tpu.enqueue_indirect_dma source(%arg8 : memref<128x128xf32, #tpu.memory_space<vmem>>) target(%dma_start3A_156 : memref<428544x128xf32, #tpu.memory_space<hbm>>) offsets(%dma_start3A_153 : memref<128xi32, #tpu.memory_space<vmem>>) semaphore(%arg13 : memref<!tpu.dma_semaphore, #tpu.memory_space<semaphore_mem>>)
    %dma_wait3A_157 = arith.constant 3 : i32
    %dma_wait3A_158 = arith.constant 0 : i32
    %dma_wait3A_159 = tpu.memref_slice %arg7[%dma_wait3A_157, %dma_wait3A_158] : memref<8x128xi32, #tpu.memory_space<vmem>> -> memref<1x128xi32, #tpu.memory_space<vmem>>
    %dma_wait3A_160 = tpu.memref_squeeze %dma_wait3A_159 : memref<1x128xi32, #tpu.memory_space<vmem>> -> memref<128xi32, #tpu.memory_space<vmem>>
    %dma_wait3A_161 = arith.constant 0 : i32
    %dma_wait3A_162 = arith.constant 0 : i32
    %dma_wait3A_163 = tpu.memref_slice %arg5[%dma_wait3A_161, %dma_wait3A_162] : memref<428544x128xf32, #tpu.memory_space<hbm>> -> memref<428544x128xf32, #tpu.memory_space<hbm>>
    tpu.wait_indirect_dma semaphore(%arg14 : memref<!tpu.dma_semaphore, #tpu.memory_space<semaphore_mem>>) src(%arg9 : memref<128x128xf32, #tpu.memory_space<vmem>>) dst(%dma_wait3A_163 : memref<428544x128xf32, #tpu.memory_space<hbm>>)
    %dma_start3A_164 = arith.constant 5 : i32
    %dma_start3A_165 = arith.constant 0 : i32
    %dma_start3A_166 = tpu.memref_slice %arg6[%dma_start3A_164, %dma_start3A_165] : memref<8x128xi32, #tpu.memory_space<vmem>> -> memref<1x128xi32, #tpu.memory_space<vmem>>
    %dma_start3A_167 = tpu.memref_squeeze %dma_start3A_166 : memref<1x128xi32, #tpu.memory_space<vmem>> -> memref<128xi32, #tpu.memory_space<vmem>>
    %dma_start3A_168 = arith.constant 0 : i32
    %dma_start3A_169 = arith.constant 0 : i32
    %dma_start3A_170 = tpu.memref_slice %arg2[%dma_start3A_168, %dma_start3A_169] : memref<30208x128xf32, #tpu.memory_space<hbm>> -> memref<30208x128xf32, #tpu.memory_space<hbm>>
    tpu.enqueue_indirect_dma source(%dma_start3A_170 : memref<30208x128xf32, #tpu.memory_space<hbm>>) target(%arg9 : memref<128x128xf32, #tpu.memory_space<vmem>>) offsets(%dma_start3A_167 : memref<128xi32, #tpu.memory_space<vmem>>) semaphore(%arg12 : memref<!tpu.dma_semaphore, #tpu.memory_space<semaphore_mem>>)
    %dma_wait3A_171 = arith.constant 5 : i32
    %dma_wait3A_172 = arith.constant 0 : i32
    %dma_wait3A_173 = tpu.memref_slice %arg6[%dma_wait3A_171, %dma_wait3A_172] : memref<8x128xi32, #tpu.memory_space<vmem>> -> memref<1x128xi32, #tpu.memory_space<vmem>>
    %dma_wait3A_174 = tpu.memref_squeeze %dma_wait3A_173 : memref<1x128xi32, #tpu.memory_space<vmem>> -> memref<128xi32, #tpu.memory_space<vmem>>
    %dma_wait3A_175 = arith.constant 0 : i32
    %dma_wait3A_176 = arith.constant 0 : i32
    %dma_wait3A_177 = tpu.memref_slice %arg2[%dma_wait3A_175, %dma_wait3A_176] : memref<30208x128xf32, #tpu.memory_space<hbm>> -> memref<30208x128xf32, #tpu.memory_space<hbm>>
    tpu.wait_indirect_dma semaphore(%arg12 : memref<!tpu.dma_semaphore, #tpu.memory_space<semaphore_mem>>) src(%dma_wait3A_177 : memref<30208x128xf32, #tpu.memory_space<hbm>>) dst(%arg9 : memref<128x128xf32, #tpu.memory_space<vmem>>)
    %dma_start3A_178 = arith.constant 5 : i32
    %dma_start3A_179 = arith.constant 0 : i32
    %dma_start3A_180 = tpu.memref_slice %arg7[%dma_start3A_178, %dma_start3A_179] : memref<8x128xi32, #tpu.memory_space<vmem>> -> memref<1x128xi32, #tpu.memory_space<vmem>>
    %dma_start3A_181 = tpu.memref_squeeze %dma_start3A_180 : memref<1x128xi32, #tpu.memory_space<vmem>> -> memref<128xi32, #tpu.memory_space<vmem>>
    %dma_start3A_182 = arith.constant 0 : i32
    %dma_start3A_183 = arith.constant 0 : i32
    %dma_start3A_184 = tpu.memref_slice %arg5[%dma_start3A_182, %dma_start3A_183] : memref<428544x128xf32, #tpu.memory_space<hbm>> -> memref<428544x128xf32, #tpu.memory_space<hbm>>
    tpu.enqueue_indirect_dma source(%arg9 : memref<128x128xf32, #tpu.memory_space<vmem>>) target(%dma_start3A_184 : memref<428544x128xf32, #tpu.memory_space<hbm>>) offsets(%dma_start3A_181 : memref<128xi32, #tpu.memory_space<vmem>>) semaphore(%arg14 : memref<!tpu.dma_semaphore, #tpu.memory_space<semaphore_mem>>)
    %dma_wait3A_185 = arith.constant 4 : i32
    %dma_wait3A_186 = arith.constant 0 : i32
    %dma_wait3A_187 = tpu.memref_slice %arg7[%dma_wait3A_185, %dma_wait3A_186] : memref<8x128xi32, #tpu.memory_space<vmem>> -> memref<1x128xi32, #tpu.memory_space<vmem>>
    %dma_wait3A_188 = tpu.memref_squeeze %dma_wait3A_187 : memref<1x128xi32, #tpu.memory_space<vmem>> -> memref<128xi32, #tpu.memory_space<vmem>>
    %dma_wait3A_189 = arith.constant 0 : i32
    %dma_wait3A_190 = arith.constant 0 : i32
    %dma_wait3A_191 = tpu.memref_slice %arg5[%dma_wait3A_189, %dma_wait3A_190] : memref<428544x128xf32, #tpu.memory_space<hbm>> -> memref<428544x128xf32, #tpu.memory_space<hbm>>
    tpu.wait_indirect_dma semaphore(%arg13 : memref<!tpu.dma_semaphore, #tpu.memory_space<semaphore_mem>>) src(%arg8 : memref<128x128xf32, #tpu.memory_space<vmem>>) dst(%dma_wait3A_191 : memref<428544x128xf32, #tpu.memory_space<hbm>>)
    %dma_start3A_192 = arith.constant 6 : i32
    %dma_start3A_193 = arith.constant 0 : i32
    %dma_start3A_194 = tpu.memref_slice %arg6[%dma_start3A_192, %dma_start3A_193] : memref<8x128xi32, #tpu.memory_space<vmem>> -> memref<1x128xi32, #tpu.memory_space<vmem>>
    %dma_start3A_195 = tpu.memref_squeeze %dma_start3A_194 : memref<1x128xi32, #tpu.memory_space<vmem>> -> memref<128xi32, #tpu.memory_space<vmem>>
    %dma_start3A_196 = arith.constant 0 : i32
    %dma_start3A_197 = arith.constant 0 : i32
    %dma_start3A_198 = tpu.memref_slice %arg2[%dma_start3A_196, %dma_start3A_197] : memref<30208x128xf32, #tpu.memory_space<hbm>> -> memref<30208x128xf32, #tpu.memory_space<hbm>>
    tpu.enqueue_indirect_dma source(%dma_start3A_198 : memref<30208x128xf32, #tpu.memory_space<hbm>>) target(%arg8 : memref<128x128xf32, #tpu.memory_space<vmem>>) offsets(%dma_start3A_195 : memref<128xi32, #tpu.memory_space<vmem>>) semaphore(%arg11 : memref<!tpu.dma_semaphore, #tpu.memory_space<semaphore_mem>>)
    %dma_wait3A_199 = arith.constant 6 : i32
    %dma_wait3A_200 = arith.constant 0 : i32
    %dma_wait3A_201 = tpu.memref_slice %arg6[%dma_wait3A_199, %dma_wait3A_200] : memref<8x128xi32, #tpu.memory_space<vmem>> -> memref<1x128xi32, #tpu.memory_space<vmem>>
    %dma_wait3A_202 = tpu.memref_squeeze %dma_wait3A_201 : memref<1x128xi32, #tpu.memory_space<vmem>> -> memref<128xi32, #tpu.memory_space<vmem>>
    %dma_wait3A_203 = arith.constant 0 : i32
    %dma_wait3A_204 = arith.constant 0 : i32
    %dma_wait3A_205 = tpu.memref_slice %arg2[%dma_wait3A_203, %dma_wait3A_204] : memref<30208x128xf32, #tpu.memory_space<hbm>> -> memref<30208x128xf32, #tpu.memory_space<hbm>>
    tpu.wait_indirect_dma semaphore(%arg11 : memref<!tpu.dma_semaphore, #tpu.memory_space<semaphore_mem>>) src(%dma_wait3A_205 : memref<30208x128xf32, #tpu.memory_space<hbm>>) dst(%arg8 : memref<128x128xf32, #tpu.memory_space<vmem>>)
    %dma_start3A_206 = arith.constant 6 : i32
    %dma_start3A_207 = arith.constant 0 : i32
    %dma_start3A_208 = tpu.memref_slice %arg7[%dma_start3A_206, %dma_start3A_207] : memref<8x128xi32, #tpu.memory_space<vmem>> -> memref<1x128xi32, #tpu.memory_space<vmem>>
    %dma_start3A_209 = tpu.memref_squeeze %dma_start3A_208 : memref<1x128xi32, #tpu.memory_space<vmem>> -> memref<128xi32, #tpu.memory_space<vmem>>
    %dma_start3A_210 = arith.constant 0 : i32
    %dma_start3A_211 = arith.constant 0 : i32
    %dma_start3A_212 = tpu.memref_slice %arg5[%dma_start3A_210, %dma_start3A_211] : memref<428544x128xf32, #tpu.memory_space<hbm>> -> memref<428544x128xf32, #tpu.memory_space<hbm>>
    tpu.enqueue_indirect_dma source(%arg8 : memref<128x128xf32, #tpu.memory_space<vmem>>) target(%dma_start3A_212 : memref<428544x128xf32, #tpu.memory_space<hbm>>) offsets(%dma_start3A_209 : memref<128xi32, #tpu.memory_space<vmem>>) semaphore(%arg13 : memref<!tpu.dma_semaphore, #tpu.memory_space<semaphore_mem>>)
    %dma_wait3A_213 = arith.constant 5 : i32
    %dma_wait3A_214 = arith.constant 0 : i32
    %dma_wait3A_215 = tpu.memref_slice %arg7[%dma_wait3A_213, %dma_wait3A_214] : memref<8x128xi32, #tpu.memory_space<vmem>> -> memref<1x128xi32, #tpu.memory_space<vmem>>
    %dma_wait3A_216 = tpu.memref_squeeze %dma_wait3A_215 : memref<1x128xi32, #tpu.memory_space<vmem>> -> memref<128xi32, #tpu.memory_space<vmem>>
    %dma_wait3A_217 = arith.constant 0 : i32
    %dma_wait3A_218 = arith.constant 0 : i32
    %dma_wait3A_219 = tpu.memref_slice %arg5[%dma_wait3A_217, %dma_wait3A_218] : memref<428544x128xf32, #tpu.memory_space<hbm>> -> memref<428544x128xf32, #tpu.memory_space<hbm>>
    tpu.wait_indirect_dma semaphore(%arg14 : memref<!tpu.dma_semaphore, #tpu.memory_space<semaphore_mem>>) src(%arg9 : memref<128x128xf32, #tpu.memory_space<vmem>>) dst(%dma_wait3A_219 : memref<428544x128xf32, #tpu.memory_space<hbm>>)
    %dma_start3A_220 = arith.constant 7 : i32
    %dma_start3A_221 = arith.constant 0 : i32
    %dma_start3A_222 = tpu.memref_slice %arg6[%dma_start3A_220, %dma_start3A_221] : memref<8x128xi32, #tpu.memory_space<vmem>> -> memref<1x128xi32, #tpu.memory_space<vmem>>
    %dma_start3A_223 = tpu.memref_squeeze %dma_start3A_222 : memref<1x128xi32, #tpu.memory_space<vmem>> -> memref<128xi32, #tpu.memory_space<vmem>>
    %dma_start3A_224 = arith.constant 0 : i32
    %dma_start3A_225 = arith.constant 0 : i32
    %dma_start3A_226 = tpu.memref_slice %arg2[%dma_start3A_224, %dma_start3A_225] : memref<30208x128xf32, #tpu.memory_space<hbm>> -> memref<30208x128xf32, #tpu.memory_space<hbm>>
    tpu.enqueue_indirect_dma source(%dma_start3A_226 : memref<30208x128xf32, #tpu.memory_space<hbm>>) target(%arg9 : memref<128x128xf32, #tpu.memory_space<vmem>>) offsets(%dma_start3A_223 : memref<128xi32, #tpu.memory_space<vmem>>) semaphore(%arg12 : memref<!tpu.dma_semaphore, #tpu.memory_space<semaphore_mem>>)
    %dma_wait3A_227 = arith.constant 7 : i32
    %dma_wait3A_228 = arith.constant 0 : i32
    %dma_wait3A_229 = tpu.memref_slice %arg6[%dma_wait3A_227, %dma_wait3A_228] : memref<8x128xi32, #tpu.memory_space<vmem>> -> memref<1x128xi32, #tpu.memory_space<vmem>>
    %dma_wait3A_230 = tpu.memref_squeeze %dma_wait3A_229 : memref<1x128xi32, #tpu.memory_space<vmem>> -> memref<128xi32, #tpu.memory_space<vmem>>
    %dma_wait3A_231 = arith.constant 0 : i32
    %dma_wait3A_232 = arith.constant 0 : i32
    %dma_wait3A_233 = tpu.memref_slice %arg2[%dma_wait3A_231, %dma_wait3A_232] : memref<30208x128xf32, #tpu.memory_space<hbm>> -> memref<30208x128xf32, #tpu.memory_space<hbm>>
    tpu.wait_indirect_dma semaphore(%arg12 : memref<!tpu.dma_semaphore, #tpu.memory_space<semaphore_mem>>) src(%dma_wait3A_233 : memref<30208x128xf32, #tpu.memory_space<hbm>>) dst(%arg9 : memref<128x128xf32, #tpu.memory_space<vmem>>)
    %dma_start3A_234 = arith.constant 7 : i32
    %dma_start3A_235 = arith.constant 0 : i32
    %dma_start3A_236 = tpu.memref_slice %arg7[%dma_start3A_234, %dma_start3A_235] : memref<8x128xi32, #tpu.memory_space<vmem>> -> memref<1x128xi32, #tpu.memory_space<vmem>>
    %dma_start3A_237 = tpu.memref_squeeze %dma_start3A_236 : memref<1x128xi32, #tpu.memory_space<vmem>> -> memref<128xi32, #tpu.memory_space<vmem>>
    %dma_start3A_238 = arith.constant 0 : i32
    %dma_start3A_239 = arith.constant 0 : i32
    %dma_start3A_240 = tpu.memref_slice %arg5[%dma_start3A_238, %dma_start3A_239] : memref<428544x128xf32, #tpu.memory_space<hbm>> -> memref<428544x128xf32, #tpu.memory_space<hbm>>
    tpu.enqueue_indirect_dma source(%arg9 : memref<128x128xf32, #tpu.memory_space<vmem>>) target(%dma_start3A_240 : memref<428544x128xf32, #tpu.memory_space<hbm>>) offsets(%dma_start3A_237 : memref<128xi32, #tpu.memory_space<vmem>>) semaphore(%arg14 : memref<!tpu.dma_semaphore, #tpu.memory_space<semaphore_mem>>)
    %dma_wait3A_241 = arith.constant 6 : i32
    %dma_wait3A_242 = arith.constant 0 : i32
    %dma_wait3A_243 = tpu.memref_slice %arg7[%dma_wait3A_241, %dma_wait3A_242] : memref<8x128xi32, #tpu.memory_space<vmem>> -> memref<1x128xi32, #tpu.memory_space<vmem>>
    %dma_wait3A_244 = tpu.memref_squeeze %dma_wait3A_243 : memref<1x128xi32, #tpu.memory_space<vmem>> -> memref<128xi32, #tpu.memory_space<vmem>>
    %dma_wait3A_245 = arith.constant 0 : i32
    %dma_wait3A_246 = arith.constant 0 : i32
    %dma_wait3A_247 = tpu.memref_slice %arg5[%dma_wait3A_245, %dma_wait3A_246] : memref<428544x128xf32, #tpu.memory_space<hbm>> -> memref<428544x128xf32, #tpu.memory_space<hbm>>
    tpu.wait_indirect_dma semaphore(%arg13 : memref<!tpu.dma_semaphore, #tpu.memory_space<semaphore_mem>>) src(%arg8 : memref<128x128xf32, #tpu.memory_space<vmem>>) dst(%dma_wait3A_247 : memref<428544x128xf32, #tpu.memory_space<hbm>>)
    %dma_wait3A_248 = arith.constant 7 : i32
    %dma_wait3A_249 = arith.constant 0 : i32
    %dma_wait3A_250 = tpu.memref_slice %arg7[%dma_wait3A_248, %dma_wait3A_249] : memref<8x128xi32, #tpu.memory_space<vmem>> -> memref<1x128xi32, #tpu.memory_space<vmem>>
    %dma_wait3A_251 = tpu.memref_squeeze %dma_wait3A_250 : memref<1x128xi32, #tpu.memory_space<vmem>> -> memref<128xi32, #tpu.memory_space<vmem>>
    %dma_wait3A_252 = arith.constant 0 : i32
    %dma_wait3A_253 = arith.constant 0 : i32
    %dma_wait3A_254 = tpu.memref_slice %arg5[%dma_wait3A_252, %dma_wait3A_253] : memref<428544x128xf32, #tpu.memory_space<hbm>> -> memref<428544x128xf32, #tpu.memory_space<hbm>>
    tpu.wait_indirect_dma semaphore(%arg14 : memref<!tpu.dma_semaphore, #tpu.memory_space<semaphore_mem>>) src(%arg9 : memref<128x128xf32, #tpu.memory_space<vmem>>) dst(%dma_wait3A_254 : memref<428544x128xf32, #tpu.memory_space<hbm>>)
    return
  }
}

module attributes {stable_mosaic.version = 14 : i64} {
  func.func @_pfe_body(%arg0: i32, %arg1: memref<512x128xf32, #tpu.memory_space<vmem>>, %arg2: memref<4x512xf32, #tpu.memory_space<vmem>>, %arg3: memref<2176x128xf32, #tpu.memory_space<vmem>>, %arg4: memref<64x3xf32, #tpu.memory_space<vmem>>, %arg5: memref<64x3xf32, #tpu.memory_space<vmem>>, %arg6: memref<64x512xf32, #tpu.memory_space<vmem>>, %arg7: memref<64x512xf32, #tpu.memory_space<vmem>>, %arg8: memref<2x64xf32, #tpu.memory_space<vmem>>) attributes {dimension_semantics = [#tpu.dimension_semantics<arbitrary>], iteration_bounds = array<i64: 59>, scalar_prefetch = 0 : i64, scratch_operands = 0 : i64, tpu.core_type = #tpu.core_type<tc>, window_params = [{transform_indices = @transform_0, window_bounds = array<i64: 512, 128>}, {transform_indices = @transform_1, window_bounds = array<i64: 4, 512>}, {pipeline_mode = #tpu.pipeline_mode<synchronous>, transform_indices = @transform_2, window_bounds = array<i64: 2176, 128>}, {pipeline_mode = #tpu.pipeline_mode<synchronous>, transform_indices = @transform_3, window_bounds = array<i64: 64, 3>}, {pipeline_mode = #tpu.pipeline_mode<synchronous>, transform_indices = @transform_4, window_bounds = array<i64: 64, 3>}, {transform_indices = @transform_5, window_bounds = array<i64: 64, 512>}, {transform_indices = @transform_6, window_bounds = array<i64: 64, 512>}, {pipeline_mode = #tpu.pipeline_mode<synchronous>, transform_indices = @transform_7, window_bounds = array<i64: 2, 64>}]} {
    %get3A = arith.constant 0 : index
    %get3A_0 = arith.constant 0 : index
    %get3A_1 = vector.load %arg2[%get3A, %get3A_0] : memref<4x512xf32, #tpu.memory_space<vmem>>, vector<4x512xf32>
    %get3A_2 = arith.constant 0 : index
    %get3A_3 = arith.constant 0 : index
    %get3A_4 = vector.load %arg3[%get3A_2, %get3A_3] : memref<2176x128xf32, #tpu.memory_space<vmem>>, vector<2176x128xf32>
    %get3A_5 = arith.constant 0 : index
    %get3A_6 = arith.constant 0 : index
    %get3A_7 = vector.load %arg1[%get3A_5, %get3A_6] : memref<512x128xf32, #tpu.memory_space<vmem>>, vector<512x128xf32>
    %dot_general3A = arith.constant dense<0.000000e+00> : vector<2176x512xf32>
    %dot_general3A_8 = tpu.matmul %get3A_4, %get3A_7, %dot_general3A {dimension_numbers = #tpu.dot_dimension_numbers<[1], [1], [0], [0], [0, 0, 1, 0], [], []>, transpose_lhs_hint = false} : vector<2176x128xf32>, vector<512x128xf32>, vector<2176x512xf32> -> vector<2176x512xf32>
    %slice3A = vector.extract_strided_slice %dot_general3A_8 {offsets = [0, 0], sizes = [2048, 512], strides = [1, 1]} : vector<2176x512xf32> to vector<2048x512xf32>
    %slice3A_9 = vector.extract_strided_slice %slice3A {offsets = [0, 0], sizes = [1024, 512], strides = [1, 1]} : vector<2048x512xf32> to vector<1024x512xf32>
    %slice3A_10 = vector.extract_strided_slice %slice3A {offsets = [1024, 0], sizes = [1024, 512], strides = [1, 1]} : vector<2048x512xf32> to vector<1024x512xf32>
    %max3A = arith.maximumf %slice3A_9, %slice3A_10 : vector<1024x512xf32>
    %slice3A_11 = vector.extract_strided_slice %max3A {offsets = [0, 0], sizes = [512, 512], strides = [1, 1]} : vector<1024x512xf32> to vector<512x512xf32>
    %slice3A_12 = vector.extract_strided_slice %max3A {offsets = [512, 0], sizes = [512, 512], strides = [1, 1]} : vector<1024x512xf32> to vector<512x512xf32>
    %max3A_13 = arith.maximumf %slice3A_11, %slice3A_12 : vector<512x512xf32>
    %slice3A_14 = vector.extract_strided_slice %max3A_13 {offsets = [0, 0], sizes = [256, 512], strides = [1, 1]} : vector<512x512xf32> to vector<256x512xf32>
    %slice3A_15 = vector.extract_strided_slice %max3A_13 {offsets = [256, 0], sizes = [256, 512], strides = [1, 1]} : vector<512x512xf32> to vector<256x512xf32>
    %max3A_16 = arith.maximumf %slice3A_14, %slice3A_15 : vector<256x512xf32>
    %slice3A_17 = vector.extract_strided_slice %max3A_16 {offsets = [0, 0], sizes = [128, 512], strides = [1, 1]} : vector<256x512xf32> to vector<128x512xf32>
    %slice3A_18 = vector.extract_strided_slice %max3A_16 {offsets = [128, 0], sizes = [128, 512], strides = [1, 1]} : vector<256x512xf32> to vector<128x512xf32>
    %max3A_19 = arith.maximumf %slice3A_17, %slice3A_18 : vector<128x512xf32>
    %slice3A_20 = vector.extract_strided_slice %max3A_19 {offsets = [0, 0], sizes = [64, 512], strides = [1, 1]} : vector<128x512xf32> to vector<64x512xf32>
    %slice3A_21 = vector.extract_strided_slice %max3A_19 {offsets = [64, 0], sizes = [64, 512], strides = [1, 1]} : vector<128x512xf32> to vector<64x512xf32>
    %max3A_22 = arith.maximumf %slice3A_20, %slice3A_21 : vector<64x512xf32>
    %slice3A_23 = vector.extract_strided_slice %slice3A {offsets = [0, 0], sizes = [1024, 512], strides = [1, 1]} : vector<2048x512xf32> to vector<1024x512xf32>
    %slice3A_24 = vector.extract_strided_slice %slice3A {offsets = [1024, 0], sizes = [1024, 512], strides = [1, 1]} : vector<2048x512xf32> to vector<1024x512xf32>
    %min3A = arith.minimumf %slice3A_23, %slice3A_24 : vector<1024x512xf32>
    %slice3A_25 = vector.extract_strided_slice %min3A {offsets = [0, 0], sizes = [512, 512], strides = [1, 1]} : vector<1024x512xf32> to vector<512x512xf32>
    %slice3A_26 = vector.extract_strided_slice %min3A {offsets = [512, 0], sizes = [512, 512], strides = [1, 1]} : vector<1024x512xf32> to vector<512x512xf32>
    %min3A_27 = arith.minimumf %slice3A_25, %slice3A_26 : vector<512x512xf32>
    %slice3A_28 = vector.extract_strided_slice %min3A_27 {offsets = [0, 0], sizes = [256, 512], strides = [1, 1]} : vector<512x512xf32> to vector<256x512xf32>
    %slice3A_29 = vector.extract_strided_slice %min3A_27 {offsets = [256, 0], sizes = [256, 512], strides = [1, 1]} : vector<512x512xf32> to vector<256x512xf32>
    %min3A_30 = arith.minimumf %slice3A_28, %slice3A_29 : vector<256x512xf32>
    %slice3A_31 = vector.extract_strided_slice %min3A_30 {offsets = [0, 0], sizes = [128, 512], strides = [1, 1]} : vector<256x512xf32> to vector<128x512xf32>
    %slice3A_32 = vector.extract_strided_slice %min3A_30 {offsets = [128, 0], sizes = [128, 512], strides = [1, 1]} : vector<256x512xf32> to vector<128x512xf32>
    %min3A_33 = arith.minimumf %slice3A_31, %slice3A_32 : vector<128x512xf32>
    %slice3A_34 = vector.extract_strided_slice %min3A_33 {offsets = [0, 0], sizes = [64, 512], strides = [1, 1]} : vector<128x512xf32> to vector<64x512xf32>
    %slice3A_35 = vector.extract_strided_slice %min3A_33 {offsets = [64, 0], sizes = [64, 512], strides = [1, 1]} : vector<128x512xf32> to vector<64x512xf32>
    %min3A_36 = arith.minimumf %slice3A_34, %slice3A_35 : vector<64x512xf32>
    %slice3A_37 = vector.extract_strided_slice %slice3A {offsets = [0, 0], sizes = [1024, 512], strides = [1, 1]} : vector<2048x512xf32> to vector<1024x512xf32>
    %slice3A_38 = vector.extract_strided_slice %slice3A {offsets = [1024, 0], sizes = [1024, 512], strides = [1, 1]} : vector<2048x512xf32> to vector<1024x512xf32>
    %add3A = arith.addf %slice3A_37, %slice3A_38 : vector<1024x512xf32>
    %slice3A_39 = vector.extract_strided_slice %add3A {offsets = [0, 0], sizes = [512, 512], strides = [1, 1]} : vector<1024x512xf32> to vector<512x512xf32>
    %slice3A_40 = vector.extract_strided_slice %add3A {offsets = [512, 0], sizes = [512, 512], strides = [1, 1]} : vector<1024x512xf32> to vector<512x512xf32>
    %add3A_41 = arith.addf %slice3A_39, %slice3A_40 : vector<512x512xf32>
    %slice3A_42 = vector.extract_strided_slice %add3A_41 {offsets = [0, 0], sizes = [256, 512], strides = [1, 1]} : vector<512x512xf32> to vector<256x512xf32>
    %slice3A_43 = vector.extract_strided_slice %add3A_41 {offsets = [256, 0], sizes = [256, 512], strides = [1, 1]} : vector<512x512xf32> to vector<256x512xf32>
    %add3A_44 = arith.addf %slice3A_42, %slice3A_43 : vector<256x512xf32>
    %slice3A_45 = vector.extract_strided_slice %add3A_44 {offsets = [0, 0], sizes = [128, 512], strides = [1, 1]} : vector<256x512xf32> to vector<128x512xf32>
    %slice3A_46 = vector.extract_strided_slice %add3A_44 {offsets = [128, 0], sizes = [128, 512], strides = [1, 1]} : vector<256x512xf32> to vector<128x512xf32>
    %add3A_47 = arith.addf %slice3A_45, %slice3A_46 : vector<128x512xf32>
    %slice3A_48 = vector.extract_strided_slice %add3A_47 {offsets = [0, 0], sizes = [64, 512], strides = [1, 1]} : vector<128x512xf32> to vector<64x512xf32>
    %slice3A_49 = vector.extract_strided_slice %add3A_47 {offsets = [64, 0], sizes = [64, 512], strides = [1, 1]} : vector<128x512xf32> to vector<64x512xf32>
    %add3A_50 = arith.addf %slice3A_48, %slice3A_49 : vector<64x512xf32>
    %mul3A = arith.mulf %slice3A, %slice3A : vector<2048x512xf32>
    %slice3A_51 = vector.extract_strided_slice %mul3A {offsets = [0, 0], sizes = [1024, 512], strides = [1, 1]} : vector<2048x512xf32> to vector<1024x512xf32>
    %slice3A_52 = vector.extract_strided_slice %mul3A {offsets = [1024, 0], sizes = [1024, 512], strides = [1, 1]} : vector<2048x512xf32> to vector<1024x512xf32>
    %add3A_53 = arith.addf %slice3A_51, %slice3A_52 : vector<1024x512xf32>
    %slice3A_54 = vector.extract_strided_slice %add3A_53 {offsets = [0, 0], sizes = [512, 512], strides = [1, 1]} : vector<1024x512xf32> to vector<512x512xf32>
    %slice3A_55 = vector.extract_strided_slice %add3A_53 {offsets = [512, 0], sizes = [512, 512], strides = [1, 1]} : vector<1024x512xf32> to vector<512x512xf32>
    %add3A_56 = arith.addf %slice3A_54, %slice3A_55 : vector<512x512xf32>
    %slice3A_57 = vector.extract_strided_slice %add3A_56 {offsets = [0, 0], sizes = [256, 512], strides = [1, 1]} : vector<512x512xf32> to vector<256x512xf32>
    %slice3A_58 = vector.extract_strided_slice %add3A_56 {offsets = [256, 0], sizes = [256, 512], strides = [1, 1]} : vector<512x512xf32> to vector<256x512xf32>
    %add3A_59 = arith.addf %slice3A_57, %slice3A_58 : vector<256x512xf32>
    %slice3A_60 = vector.extract_strided_slice %add3A_59 {offsets = [0, 0], sizes = [128, 512], strides = [1, 1]} : vector<256x512xf32> to vector<128x512xf32>
    %slice3A_61 = vector.extract_strided_slice %add3A_59 {offsets = [128, 0], sizes = [128, 512], strides = [1, 1]} : vector<256x512xf32> to vector<128x512xf32>
    %add3A_62 = arith.addf %slice3A_60, %slice3A_61 : vector<128x512xf32>
    %slice3A_63 = vector.extract_strided_slice %add3A_62 {offsets = [0, 0], sizes = [64, 512], strides = [1, 1]} : vector<128x512xf32> to vector<64x512xf32>
    %slice3A_64 = vector.extract_strided_slice %add3A_62 {offsets = [64, 0], sizes = [64, 512], strides = [1, 1]} : vector<128x512xf32> to vector<64x512xf32>
    %add3A_65 = arith.addf %slice3A_63, %slice3A_64 : vector<64x512xf32>
    %slice3A_66 = vector.extract_strided_slice %dot_general3A_8 {offsets = [2048, 0], sizes = [128, 512], strides = [1, 1]} : vector<2176x512xf32> to vector<128x512xf32>
    %slice3A_67 = vector.extract_strided_slice %slice3A_66 {offsets = [0, 0], sizes = [64, 512], strides = [1, 1]} : vector<128x512xf32> to vector<64x512xf32>
    %slice3A_68 = vector.extract_strided_slice %slice3A_66 {offsets = [64, 0], sizes = [64, 512], strides = [1, 1]} : vector<128x512xf32> to vector<64x512xf32>
    %add3A_69 = arith.addf %slice3A_67, %slice3A_68 : vector<64x512xf32>
    %slice3A_70 = vector.extract_strided_slice %add3A_69 {offsets = [0, 0], sizes = [32, 512], strides = [1, 1]} : vector<64x512xf32> to vector<32x512xf32>
    %slice3A_71 = vector.extract_strided_slice %add3A_69 {offsets = [32, 0], sizes = [32, 512], strides = [1, 1]} : vector<64x512xf32> to vector<32x512xf32>
    %add3A_72 = arith.addf %slice3A_70, %slice3A_71 : vector<32x512xf32>
    %slice3A_73 = vector.extract_strided_slice %add3A_72 {offsets = [0, 0], sizes = [16, 512], strides = [1, 1]} : vector<32x512xf32> to vector<16x512xf32>
    %slice3A_74 = vector.extract_strided_slice %add3A_72 {offsets = [16, 0], sizes = [16, 512], strides = [1, 1]} : vector<32x512xf32> to vector<16x512xf32>
    %add3A_75 = arith.addf %slice3A_73, %slice3A_74 : vector<16x512xf32>
    %slice3A_76 = vector.extract_strided_slice %add3A_75 {offsets = [0, 0], sizes = [8, 512], strides = [1, 1]} : vector<16x512xf32> to vector<8x512xf32>
    %slice3A_77 = vector.extract_strided_slice %add3A_75 {offsets = [8, 0], sizes = [8, 512], strides = [1, 1]} : vector<16x512xf32> to vector<8x512xf32>
    %add3A_78 = arith.addf %slice3A_76, %slice3A_77 : vector<8x512xf32>
    %slice3A_79 = vector.extract_strided_slice %add3A_78 {offsets = [0, 0], sizes = [4, 512], strides = [1, 1]} : vector<8x512xf32> to vector<4x512xf32>
    %slice3A_80 = vector.extract_strided_slice %add3A_78 {offsets = [4, 0], sizes = [4, 512], strides = [1, 1]} : vector<8x512xf32> to vector<4x512xf32>
    %add3A_81 = arith.addf %slice3A_79, %slice3A_80 : vector<4x512xf32>
    %slice3A_82 = vector.extract_strided_slice %add3A_81 {offsets = [0, 0], sizes = [3, 512], strides = [1, 1]} : vector<4x512xf32> to vector<3x512xf32>
    %slice3A_83 = vector.extract_strided_slice %get3A_1 {offsets = [3, 0], sizes = [1, 512], strides = [1, 1]} : vector<4x512xf32> to vector<1x512xf32>
    %mul3A_84 = vector.broadcast %slice3A_83 : vector<1x512xf32> to vector<3x512xf32>
    %mul3A_85 = arith.mulf %slice3A_82, %mul3A_84 : vector<3x512xf32>
    %get3A_86 = arith.constant 0 : index
    %get3A_87 = arith.constant 0 : index
    %get3A_88 = vector.load %arg4[%get3A_86, %get3A_87] : memref<64x3xf32, #tpu.memory_space<vmem>>, vector<64x3xf32>
    %dot_general3A_89 = arith.constant dense<0.000000e+00> : vector<64x512xf32>
    %dot_general3A_90 = tpu.matmul %get3A_88, %mul3A_85, %dot_general3A_89 {dimension_numbers = #tpu.dot_dimension_numbers<[1], [0], [0], [1], [0, 0, 1, 1], [], []>, transpose_lhs_hint = false} : vector<64x3xf32>, vector<3x512xf32>, vector<64x512xf32> -> vector<64x512xf32>
    %get3A_91 = arith.constant 0 : index
    %get3A_92 = arith.constant 0 : index
    %get3A_93 = vector.load %arg5[%get3A_91, %get3A_92] : memref<64x3xf32, #tpu.memory_space<vmem>>, vector<64x3xf32>
    %slice3A_94 = vector.extract_strided_slice %get3A_1 {offsets = [0, 0], sizes = [3, 512], strides = [1, 1]} : vector<4x512xf32> to vector<3x512xf32>
    %dot_general3A_95 = arith.constant dense<0.000000e+00> : vector<64x512xf32>
    %dot_general3A_96 = tpu.matmul %get3A_93, %slice3A_94, %dot_general3A_95 {dimension_numbers = #tpu.dot_dimension_numbers<[1], [0], [0], [1], [0, 0, 1, 1], [], []>, transpose_lhs_hint = false} : vector<64x3xf32>, vector<3x512xf32>, vector<64x512xf32> -> vector<64x512xf32>
    %add3A_97 = arith.addf %dot_general3A_90, %dot_general3A_96 : vector<64x512xf32>
    %neg3A = arith.constant 0.000000e+00 : f32
    %neg3A_98 = vector.broadcast %neg3A : f32 to vector<64x512xf32>
    %neg3A_99 = arith.subf %neg3A_98, %add3A_97 : vector<64x512xf32>
    %add3A_100 = arith.addf %max3A_22, %neg3A_99 : vector<64x512xf32>
    %swap3A = arith.constant 0 : index
    %swap3A_101 = arith.constant 0 : index
    %swap3A_102 = vector.load %arg6[%swap3A, %swap3A_101] : memref<64x512xf32, #tpu.memory_space<vmem>>, vector<64x512xf32>
    tpu.vector_store %arg6[%swap3A, %swap3A_101], %add3A_100 {strides = array<i32>} : memref<64x512xf32, #tpu.memory_space<vmem>>, vector<64x512xf32>,
    %add3A_103 = arith.addf %min3A_36, %neg3A_99 : vector<64x512xf32>
    %swap3A_104 = arith.constant 0 : index
    %swap3A_105 = arith.constant 0 : index
    %swap3A_106 = vector.load %arg7[%swap3A_104, %swap3A_105] : memref<64x512xf32, #tpu.memory_space<vmem>>, vector<64x512xf32>
    tpu.vector_store %arg7[%swap3A_104, %swap3A_105], %add3A_103 {strides = array<i32>} : memref<64x512xf32, #tpu.memory_space<vmem>>, vector<64x512xf32>,
    %mul3A_107 = arith.constant 512 : i32
    %mul3A_108 = arith.muli %arg0, %mul3A_107 : i32
    %iota3A = tpu.iota {dimensions = array<i32: 1>} : vector<64x512xi32>
    %add3A_109 = vector.broadcast %mul3A_108 : i32 to vector<64x512xi32>
    %add3A_110 = arith.addi %add3A_109, %iota3A : vector<64x512xi32>
    %lt3A = arith.constant 30000 : i32
    %lt3A_111 = vector.broadcast %lt3A : i32 to vector<64x512xi32>
    %lt3A_112 = arith.cmpi slt, %add3A_110, %lt3A_111 : vector<64x512xi32>
    %mul3A_113 = arith.constant 3.200000e+01 : f32
    %mul3A_114 = vector.broadcast %mul3A_113 : f32 to vector<64x512xf32>
    %mul3A_115 = arith.mulf %mul3A_114, %neg3A_99 : vector<64x512xf32>
    %add3A_116 = arith.addf %add3A_50, %mul3A_115 : vector<64x512xf32>
    %jit3A = arith.constant 0.000000e+00 : f32
    %broadcast_in_dim3A = vector.broadcast %jit3A : f32 to vector<64x512xf32>
    %select_n3A = arith.select %lt3A_112, %add3A_116, %broadcast_in_dim3A : vector<64x512xi1>, vector<64x512xf32>
    %reduce_sum3A = arith.constant dense<0.000000e+00> : vector<64xf32>
    %reduce_sum3A_117 = vector.multi_reduction <add>, %select_n3A, %reduce_sum3A [1] : vector<64x512xf32> to vector<64xf32>
    %mul3A_118 = arith.constant 2.000000e+00 : f32
    %mul3A_119 = vector.broadcast %mul3A_118 : f32 to vector<64x512xf32>
    %mul3A_120 = arith.mulf %mul3A_119, %neg3A_99 : vector<64x512xf32>
    %mul3A_121 = arith.mulf %mul3A_120, %add3A_50 : vector<64x512xf32>
    %add3A_122 = arith.addf %add3A_65, %mul3A_121 : vector<64x512xf32>
    %mul3A_123 = arith.constant 3.200000e+01 : f32
    %mul3A_124 = vector.broadcast %mul3A_123 : f32 to vector<64x512xf32>
    %mul3A_125 = arith.mulf %mul3A_124, %neg3A_99 : vector<64x512xf32>
    %mul3A_126 = arith.mulf %mul3A_125, %neg3A_99 : vector<64x512xf32>
    %add3A_127 = arith.addf %add3A_122, %mul3A_126 : vector<64x512xf32>
    %jit3A_128 = arith.constant 0.000000e+00 : f32
    %broadcast_in_dim3A_129 = vector.broadcast %jit3A_128 : f32 to vector<64x512xf32>
    %select_n3A_130 = arith.select %lt3A_112, %add3A_127, %broadcast_in_dim3A_129 : vector<64x512xi1>, vector<64x512xf32>
    %reduce_sum3A_131 = arith.constant dense<0.000000e+00> : vector<64xf32>
    %reduce_sum3A_132 = vector.multi_reduction <add>, %select_n3A_130, %reduce_sum3A_131 [1] : vector<64x512xf32> to vector<64xf32>
    %eq3A = arith.constant 0 : i32
    %eq3A_133 = arith.cmpi eq, %arg0, %eq3A : i32
    %convert_element_type3A = arith.extui %eq3A_133 : i1 to i32
    %cond3A = arith.constant 0 : i32
    %cond3A_134 = arith.cmpi ne, %convert_element_type3A, %cond3A : i32
    scf.if %cond3A_134 {
      %broadcast_in_dim3A_144 = arith.constant 0.000000e+00 : f32
      %broadcast_in_dim3A_145 = vector.broadcast %broadcast_in_dim3A_144 : f32 to vector<2x64xf32>
      %swap3A_146 = arith.constant 0 : index
      %swap3A_147 = arith.constant 0 : index
      %swap3A_148 = vector.load %arg8[%swap3A_146, %swap3A_147] : memref<2x64xf32, #tpu.memory_space<vmem>>, vector<2x64xf32>
      tpu.vector_store %arg8[%swap3A_146, %swap3A_147], %broadcast_in_dim3A_145 {strides = array<i32>} : memref<2x64xf32, #tpu.memory_space<vmem>>, vector<2x64xf32>,
    } else {
    }
    %get3A_135 = arith.constant 0 : index
    %get3A_136 = arith.constant 0 : index
    %get3A_137 = vector.load %arg8[%get3A_135, %get3A_136] : memref<2x64xf32, #tpu.memory_space<vmem>>, vector<2x64xf32>
    %stack3A = vector.shape_cast %reduce_sum3A_117 : vector<64xf32> to vector<1x64xf32>
    %stack3A_138 = vector.shape_cast %reduce_sum3A_132 : vector<64xf32> to vector<1x64xf32>
    %stack3A_139 = tpu.concatenate %stack3A, %stack3A_138 in 0 : vector<1x64xf32>, vector<1x64xf32> -> vector<2x64xf32>
    %add3A_140 = arith.addf %get3A_137, %stack3A_139 : vector<2x64xf32>
    %swap3A_141 = arith.constant 0 : index
    %swap3A_142 = arith.constant 0 : index
    %swap3A_143 = vector.load %arg8[%swap3A_141, %swap3A_142] : memref<2x64xf32, #tpu.memory_space<vmem>>, vector<2x64xf32>
    tpu.vector_store %arg8[%swap3A_141, %swap3A_142], %add3A_140 {strides = array<i32>} : memref<2x64xf32, #tpu.memory_space<vmem>>, vector<2x64xf32>,
    return
  }
  func.func @transform_0(%arg0: i32) -> (i32, i32) {
    %c0_i32 = arith.constant 0 : i32
    %c0_i32_0 = arith.constant 0 : i32
    return %arg0, %c0_i32 : i32, i32
  }
  func.func @transform_1(%arg0: i32) -> (i32, i32) {
    %c0_i32 = arith.constant 0 : i32
    %c0_i32_0 = arith.constant 0 : i32
    return %c0_i32, %arg0 : i32, i32
  }
  func.func @transform_2(%arg0: i32) -> (i32, i32) {
    %c0_i32 = arith.constant 0 : i32
    %c0_i32_0 = arith.constant 0 : i32
    %c0_i32_1 = arith.constant 0 : i32
    return %c0_i32, %c0_i32_0 : i32, i32
  }
  func.func @transform_3(%arg0: i32) -> (i32, i32) {
    %c0_i32 = arith.constant 0 : i32
    %c0_i32_0 = arith.constant 0 : i32
    %c0_i32_1 = arith.constant 0 : i32
    return %c0_i32, %c0_i32_0 : i32, i32
  }
  func.func @transform_4(%arg0: i32) -> (i32, i32) {
    %c0_i32 = arith.constant 0 : i32
    %c0_i32_0 = arith.constant 0 : i32
    %c0_i32_1 = arith.constant 0 : i32
    return %c0_i32, %c0_i32_0 : i32, i32
  }
  func.func @transform_5(%arg0: i32) -> (i32, i32) {
    %c0_i32 = arith.constant 0 : i32
    %c0_i32_0 = arith.constant 0 : i32
    return %c0_i32, %arg0 : i32, i32
  }
  func.func @transform_6(%arg0: i32) -> (i32, i32) {
    %c0_i32 = arith.constant 0 : i32
    %c0_i32_0 = arith.constant 0 : i32
    return %c0_i32, %arg0 : i32, i32
  }
  func.func @transform_7(%arg0: i32) -> (i32, i32) {
    %c0_i32 = arith.constant 0 : i32
    %c0_i32_0 = arith.constant 0 : i32
    %c0_i32_1 = arith.constant 0 : i32
    return %c0_i32, %c0_i32_0 : i32, i32
  }
}

module attributes {stable_mosaic.version = 14 : i64} {
  func.func @_affine_body(%arg0: i32, %arg1: memref<64x7552xf32, #tpu.memory_space<vmem>>, %arg2: memref<64x7552xf32, #tpu.memory_space<vmem>>, %arg3: memref<64x1xf32, #tpu.memory_space<vmem>>, %arg4: memref<64x1xf32, #tpu.memory_space<vmem>>, %arg5: memref<64x1xf32, #tpu.memory_space<vmem>>, %arg6: memref<7552x128xf32, #tpu.memory_space<vmem>>) attributes {dimension_semantics = [#tpu.dimension_semantics<arbitrary>], iteration_bounds = array<i64: 4>, scalar_prefetch = 0 : i64, scratch_operands = 0 : i64, tpu.core_type = #tpu.core_type<tc>, window_params = [{transform_indices = @transform_0, window_bounds = array<i64: 64, 7552>}, {transform_indices = @transform_1, window_bounds = array<i64: 64, 7552>}, {pipeline_mode = #tpu.pipeline_mode<synchronous>, transform_indices = @transform_2, window_bounds = array<i64: 64, 1>}, {pipeline_mode = #tpu.pipeline_mode<synchronous>, transform_indices = @transform_3, window_bounds = array<i64: 64, 1>}, {pipeline_mode = #tpu.pipeline_mode<synchronous>, transform_indices = @transform_4, window_bounds = array<i64: 64, 1>}, {transform_indices = @transform_5, window_bounds = array<i64: 7552, 128>}]} {
    %get3A = arith.constant 0 : index
    %get3A_0 = arith.constant 0 : index
    %get3A_1 = vector.load %arg3[%get3A, %get3A_0] : memref<64x1xf32, #tpu.memory_space<vmem>>, vector<64x1xf32>
    %get3A_2 = arith.constant 0 : index
    %get3A_3 = arith.constant 0 : index
    %get3A_4 = vector.load %arg4[%get3A_2, %get3A_3] : memref<64x1xf32, #tpu.memory_space<vmem>>, vector<64x1xf32>
    %get3A_5 = arith.constant 0 : index
    %get3A_6 = arith.constant 0 : index
    %get3A_7 = vector.load %arg5[%get3A_5, %get3A_6] : memref<64x1xf32, #tpu.memory_space<vmem>>, vector<64x1xf32>
    %gt3A = arith.constant 5.000000e-01 : f32
    %gt3A_8 = vector.broadcast %gt3A : f32 to vector<64x1xf32>
    %gt3A_9 = arith.cmpf ogt, %get3A_7, %gt3A_8 : vector<64x1xf32>
    %get3A_10 = arith.constant 0 : index
    %get3A_11 = arith.constant 0 : index
    %get3A_12 = vector.load %arg1[%get3A_10, %get3A_11] : memref<64x7552xf32, #tpu.memory_space<vmem>>, vector<64x7552xf32>
    %get3A_13 = arith.constant 0 : index
    %get3A_14 = arith.constant 0 : index
    %get3A_15 = vector.load %arg2[%get3A_13, %get3A_14] : memref<64x7552xf32, #tpu.memory_space<vmem>>, vector<64x7552xf32>
    %broadcast_in_dim3A = vector.shape_cast %gt3A_9 : vector<64x1xi1> to vector<64x1xi1>
    %broadcast_in_dim3A_16 = vector.broadcast %broadcast_in_dim3A : vector<64x1xi1> to vector<64x7552xi1>
    %select_n3A = arith.select %broadcast_in_dim3A_16, %get3A_12, %get3A_15 : vector<64x7552xi1>, vector<64x7552xf32>
    %mul3A = vector.broadcast %get3A_1 : vector<64x1xf32> to vector<64x7552xf32>
    %mul3A_17 = arith.mulf %mul3A, %select_n3A : vector<64x7552xf32>
    %add3A = vector.broadcast %get3A_4 : vector<64x1xf32> to vector<64x7552xf32>
    %add3A_18 = arith.addf %mul3A_17, %add3A : vector<64x7552xf32>
    %max3A = arith.constant 0.000000e+00 : f32
    %max3A_19 = vector.broadcast %max3A : f32 to vector<64x7552xf32>
    %max3A_20 = arith.maximumf %add3A_18, %max3A_19 : vector<64x7552xf32>
    %transpose3A = tpu.transpose %max3A_20, [1, 0] : vector<64x7552xf32> -> vector<7552x64xf32>
    %jit3A = arith.constant 0 : i32
    %convert_element_type3A = arith.sitofp %jit3A : i32 to f32
    %pad3A = vector.broadcast %convert_element_type3A : f32 to vector<7552x64xf32>
    %pad3A_21 = tpu.concatenate %transpose3A, %pad3A in 1 : vector<7552x64xf32>, vector<7552x64xf32> -> vector<7552x128xf32>
    %swap3A = arith.constant 0 : index
    %swap3A_22 = arith.constant 0 : index
    %swap3A_23 = vector.load %arg6[%swap3A, %swap3A_22] : memref<7552x128xf32, #tpu.memory_space<vmem>>, vector<7552x128xf32>
    tpu.vector_store %arg6[%swap3A, %swap3A_22], %pad3A_21 {strides = array<i32>} : memref<7552x128xf32, #tpu.memory_space<vmem>>, vector<7552x128xf32>,
    return
  }
  func.func @transform_0(%arg0: i32) -> (i32, i32) {
    %c0_i32 = arith.constant 0 : i32
    %c0_i32_0 = arith.constant 0 : i32
    return %c0_i32, %arg0 : i32, i32
  }
  func.func @transform_1(%arg0: i32) -> (i32, i32) {
    %c0_i32 = arith.constant 0 : i32
    %c0_i32_0 = arith.constant 0 : i32
    return %c0_i32, %arg0 : i32, i32
  }
  func.func @transform_2(%arg0: i32) -> (i32, i32) {
    %c0_i32 = arith.constant 0 : i32
    %c0_i32_0 = arith.constant 0 : i32
    %c0_i32_1 = arith.constant 0 : i32
    return %c0_i32, %c0_i32_0 : i32, i32
  }
  func.func @transform_3(%arg0: i32) -> (i32, i32) {
    %c0_i32 = arith.constant 0 : i32
    %c0_i32_0 = arith.constant 0 : i32
    %c0_i32_1 = arith.constant 0 : i32
    return %c0_i32, %c0_i32_0 : i32, i32
  }
  func.func @transform_4(%arg0: i32) -> (i32, i32) {
    %c0_i32 = arith.constant 0 : i32
    %c0_i32_0 = arith.constant 0 : i32
    %c0_i32_1 = arith.constant 0 : i32
    return %c0_i32, %c0_i32_0 : i32, i32
  }
  func.func @transform_5(%arg0: i32) -> (i32, i32) {
    %c0_i32 = arith.constant 0 : i32
    %c0_i32_0 = arith.constant 0 : i32
    return %arg0, %c0_i32 : i32, i32
  }
}

module attributes {stable_mosaic.version = 14 : i64} {
  func.func @_transpose_body(%arg0: i32, %arg1: i32, %arg2: memref<1x256x128xf32, #tpu.memory_space<vmem>>, %arg3: memref<1x1x1x256xi32, #tpu.memory_space<vmem>>, %arg4: memref<1x64x256xf32, #tpu.memory_space<vmem>>) attributes {dimension_semantics = [#tpu.dimension_semantics<arbitrary>, #tpu.dimension_semantics<arbitrary>], iteration_bounds = array<i64: 2, 837>, scalar_prefetch = 0 : i64, scratch_operands = 0 : i64, tpu.core_type = #tpu.core_type<tc>, window_params = [{transform_indices = @transform_0, window_bounds = array<i64: 1, 256, 128>}, {transform_indices = @transform_1, window_bounds = array<i64: 1, 1, 1, 256>}, {transform_indices = @transform_2, window_bounds = array<i64: 1, 64, 256>}]} {
    %get3A = arith.constant 0 : index
    %get3A_0 = arith.constant 0 : index
    %get3A_1 = arith.constant 0 : index
    %get3A_2 = vector.load %arg2[%get3A, %get3A_0, %get3A_1] : memref<1x256x128xf32, #tpu.memory_space<vmem>>, vector<1x256x64xf32>
    %get3A_3 = vector.shape_cast %get3A_2 : vector<1x256x64xf32> to vector<256x64xf32>
    %get3A_4 = arith.constant 0 : index
    %get3A_5 = arith.constant 0 : index
    %get3A_6 = arith.constant 0 : index
    %get3A_7 = arith.constant 0 : index
    %get3A_8 = vector.load %arg3[%get3A_4, %get3A_5, %get3A_6, %get3A_7] : memref<1x1x1x256xi32, #tpu.memory_space<vmem>>, vector<1x1x1x256xi32>
    %get3A_9 = vector.shape_cast %get3A_8 : vector<1x1x1x256xi32> to vector<1x256xi32>
    %ne3A = arith.constant 0 : i32
    %ne3A_10 = vector.broadcast %ne3A : i32 to vector<1x256xi32>
    %ne3A_11 = arith.cmpi ne, %get3A_9, %ne3A_10 : vector<1x256xi32>
    %transpose3A = tpu.transpose %get3A_3, [1, 0] : vector<256x64xf32> -> vector<64x256xf32>
    %jit3A = arith.constant 0.000000e+00 : f32
    %broadcast_in_dim3A = vector.shape_cast %ne3A_11 : vector<1x256xi1> to vector<1x256xi1>
    %broadcast_in_dim3A_12 = vector.broadcast %broadcast_in_dim3A : vector<1x256xi1> to vector<64x256xi1>
    %broadcast_in_dim3A_13 = vector.broadcast %jit3A : f32 to vector<64x256xf32>
    %select_n3A = arith.select %broadcast_in_dim3A_12, %transpose3A, %broadcast_in_dim3A_13 : vector<64x256xi1>, vector<64x256xf32>
    %swap3A = arith.constant 0 : index
    %swap3A_14 = arith.constant 0 : index
    %swap3A_15 = arith.constant 0 : index
    %swap3A_16 = vector.load %arg4[%swap3A, %swap3A_14, %swap3A_15] : memref<1x64x256xf32, #tpu.memory_space<vmem>>, vector<1x64x256xf32>
    %swap3A_17 = vector.shape_cast %swap3A_16 : vector<1x64x256xf32> to vector<64x256xf32>
    %swap3A_18 = vector.shape_cast %select_n3A : vector<64x256xf32> to vector<1x64x256xf32>
    tpu.vector_store %arg4[%swap3A, %swap3A_14, %swap3A_15], %swap3A_18 {strides = array<i32>} : memref<1x64x256xf32, #tpu.memory_space<vmem>>, vector<1x64x256xf32>,
    return
  }
  func.func @transform_0(%arg0: i32, %arg1: i32) -> (i32, i32, i32) {
    %c0_i32 = arith.constant 0 : i32
    %c0_i32_0 = arith.constant 0 : i32
    return %arg0, %arg1, %c0_i32 : i32, i32, i32
  }
  func.func @transform_1(%arg0: i32, %arg1: i32) -> (i32, i32, i32, i32) {
    %c0_i32 = arith.constant 0 : i32
    %c0_i32_0 = arith.constant 0 : i32
    %c0_i32_1 = arith.constant 0 : i32
    return %arg0, %arg1, %c0_i32, %c0_i32_0 : i32, i32, i32, i32
  }
  func.func @transform_2(%arg0: i32, %arg1: i32) -> (i32, i32, i32) {
    %c0_i32 = arith.constant 0 : i32
    %c0_i32_0 = arith.constant 0 : i32
    return %arg0, %c0_i32, %arg1 : i32, i32, i32
  }
}

</mosaic_0001>

<sc_bundles>
// kernel: gather_offload_async_start
scs
__scs_entry_jumppad:
0x0: {  	(pc) =	sbr.rel $0x88, $3  }
0x1: {  	(tag) =	ssettag $0x0;
	lr =	simm.s32 $0x1  }
0x2: {  	[smem:$0x3F98] =	sst lr;
	_ =	strace $0xD0000000  }
0x3: {  	_ = 	snop  }
0x4: {  	_ = 	snop  }
0x5: {  	_ = 	snop  }
0x6: {  	_ = 	snop  }
0x7: {  	_ = 	snop  }
__scs_overlays_trampoline_lowered:
0x8: {  	[smem:$0x3FA7] =	sst s0  }
0x9: {  	[smem:$0x3FA8] =	sst s1  }
0xa: {  	[smem:$0x3FA9] =	sst s2  }
0xb: {  	[smem:$0x3FAA] =	sst s3  }
0xc: {  	[smem:$0x3FAB] =	sst s4  }
0xd: {  	[smem:$0x3FAC] =	sst s5  }
0xe: {  	[smem:$0x3FAD] =	sst s6  }
0xf: {  	[smem:$0x3FAE] =	sst s7  }
0x10: {  	[smem:$0x3FAF] =	sst s8  }
0x11: {  	[smem:$0x3FB0] =	sst s9;
	s0 =	simm.s32 @!p0 $0x0  }
0x12: {  	s1 =	sld [smem:$0x3F96];
	s0 =	simm.s32 @p0 $0x1  }
0x13: {  	[smem:$0x3FB1] =	sst s0;
	s0 =	simm.s32 @!p1 $0x0  }
0x14: {  	s2 =	sld [smem:$0x3F95];
	s0 =	simm.s32 @p1 $0x1  }
0x15: {  	[smem:$0x3FB2] =	sst s0;
	s0 =	simm.s32 @!p2 $0x0  }
0x16: {  	s3 =	sld [smem:$0x3FDB];
	s0 =	simm.s32 @p2 $0x1  }
0x17: {  	s4 =	simm.s32 $0x1BF5;
	[smem:$0x3FB4] =	sst s0  }
0x18: {  	s0 =	sld [smem:$0x3F97];
	_ =	swait.ge [sflag:s4], $0x0  }
0x19: {  	s7 =	sld [smem:$0x3F98]  }
0x1a: {  	s8 =	sadd.s32 $0xFFFFE003, lr  }
0x1b: {  	s9 =	sadd.s32 $0xFFFFFEF7, lr;
	s5 =	simm.s32 $0xFFFFFFFF;
	p2 =	slt.u32 s8, $0xFFFFF086  }
0x1c: {  	p1 =	slt.u32 s9, $0xF7A;
	s5 =	simm.s32 @!p2 $0x0  }
0x1d: {  	s5 =	simm.s32 @p1 $0x1;
	p0 =	seq.s32 s7, s2  }
0x1e: {  	s7 =	smul.u32 @!p0 $0xF7A, s2;
	p2 =	seq.s32 @!p0 s5, $0x0  }
0x1f: {  	s9 =	smul.u32 $0xF7A, s1;
	s8 =	simm.s32 @!p0 $0x1BF5;
	p2 =	por !p2, p0  }
0x20: {  	[sflag:s8] =	ssyncset.s32 @!p0 $0xFFFFF086;
	s6 =	sadd.s32 @!p0 s3, s7;
	s7 =	simm.s32 @!p0 $0x108  }
0x21: {  	s3 =	sadd.s32 s3, s9;
	s6 =	sadd.s32 @!p0 $0x88, s6;
	s7 =	simm.s32 @p2 $0x1082  }
0x22: {  	[simem:s7], [sflag:s8] =	dma.local @!p0 [hbm:s6], $0xF7A  }
0x23: {  	s9 =	sor.u32 $0xD0000000, s2;
	s6 =	simm.s32 $0x108;
	_ =	swait.ge @!p0 [sflag:s8], $0x0  }
0x24: {  	s3 =	sadd.s32 $0x88, s3;
	s6 =	simm.s32 @!p1 $0x1082;
	[sflag:s4] =	ssyncset.s32 $0xFFFFF086  }
0x25: {  	[simem:s6], [sflag:s4] =	dma.local [hbm:s3], $0xF7A  }
0x26: {  	[smem:$0x3F98] =	sst s1;
	(tag) =	ssettag s2;
	_ =	strace s9  }
0x27: {  	s1 =	sld [smem:$0x3FA8]  }
0x28: {  	s2 =	sld [smem:$0x3FA9]  }
0x29: {  	s4 =	sld [smem:$0x3FAB]  }
0x2a: {  	p0 =	seq.s32 s5, $0x0;
	s5 =	sld [smem:$0x3FAC]  }
0x2b: {  	s6 =	sld [smem:$0x3FAD]  }
0x2c: {  	s7 =	sld [smem:$0x3FAE]  }
0x2d: {  	s3 =	simm.s32 $0x108;
	s8 =	sld [smem:$0x3FAF]  }
0x2e: {  	s3 =	simm.s32 @!p0 $0x1082;
	s9 =	sld [smem:$0x3FB0]  }
0x2f: {  	lr =	sadd.s32 s0, s3;
	s0 =	sld [smem:$0x3FA7]  }
0x30: {  	s3 =	sld [smem:$0x3FAA]  }
0x31: {  	[smem:$0x3FB3] =	sst s10  }
0x32: {  	s10 =	sld [smem:$0x3FB1];
	_ =	sdelay $0x3  }
0x33: {  	p0 =	seq.s32 s10, $0x1;
	s10 =	sld [smem:$0x3FB3];
	_ =	sdelay $0x3  }
0x34: {  	[smem:$0x3FB3] =	sst s10  }
0x35: {  	s10 =	sld [smem:$0x3FB2];
	_ =	sdelay $0x3  }
0x36: {  	p1 =	seq.s32 s10, $0x1;
	s10 =	sld [smem:$0x3FB3];
	_ =	sdelay $0x3  }
0x37: {  	[smem:$0x3FB3] =	sst s10  }
0x38: {  	s10 =	sld [smem:$0x3FB4]  }
0x39: {  	_ = 	snop;
	(pc) =	sbr.ind lr, $3  }
0x3a: {  	_ = 	snop  }
0x3b: {  	_ = 	snop  }
0x3c: {  	p2 =	seq.s32 s10, $0x1;
	s10 =	sld [smem:$0x3FB3]  }
0x3d: {  	_ =	shalt  }
0x3e: {  	_ =	shalt  }
0x3f: {  	_ =	shalt  }
0x40: {  	_ =	shalt  }
0x41: {  	_ =	shalt  }
0x42: {  	_ =	shalt  }
0x43: {  	_ =	shalt  }
0x44: {  	_ =	shalt  }
0x45: {  	_ =	shalt  }
0x46: {  	_ =	shalt  }
0x47: {  	_ =	shalt  }
0x48: {  	_ =	shalt  }
0x49: {  	_ =	shalt  }
0x4a: {  	_ =	shalt  }
0x4b: {  	_ =	shalt  }
0x4c: {  	_ =	shalt  }
0x4d: {  	_ =	shalt  }
0x4e: {  	_ =	shalt  }
0x4f: {  	_ =	shalt  }
0x50: {  	_ =	shalt  }
0x51: {  	_ =	shalt  }
0x52: {  	_ =	shalt  }
0x53: {  	_ =	shalt  }
0x54: {  	_ =	shalt  }
0x55: {  	_ =	shalt  }
0x56: {  	_ =	shalt  }
0x57: {  	_ =	shalt  }
0x58: {  	_ =	shalt  }
0x59: {  	_ =	shalt  }
0x5a: {  	_ =	shalt  }
0x5b: {  	_ =	shalt  }
0x5c: {  	_ =	shalt  }
0x5d: {  	_ =	shalt  }
0x5e: {  	_ =	shalt  }
0x5f: {  	_ =	shalt  }
0x60: {  	_ =	shalt  }
0x61: {  	_ =	shalt  }
0x62: {  	_ =	shalt  }
0x63: {  	_ =	shalt  }
0x64: {  	_ =	shalt  }
0x65: {  	_ =	shalt  }
0x66: {  	_ =	shalt  }
0x67: {  	_ =	shalt  }
0x68: {  	_ =	shalt  }
0x69: {  	_ =	shalt  }
0x6a: {  	_ =	shalt  }
0x6b: {  	_ =	shalt  }
0x6c: {  	_ =	shalt  }
0x6d: {  	_ =	shalt  }
0x6e: {  	_ =	shalt  }
0x6f: {  	_ =	shalt  }
0x70: {  	_ =	shalt  }
0x71: {  	_ =	shalt  }
0x72: {  	_ =	shalt  }
0x73: {  	_ =	shalt  }
0x74: {  	_ =	shalt  }
0x75: {  	_ =	shalt  }
0x76: {  	_ =	shalt  }
0x77: {  	_ =	shalt  }
0x78: {  	_ =	shalt  }
0x79: {  	_ =	shalt  }
0x7a: {  	_ =	shalt  }
0x7b: {  	_ =	shalt  }
0x7c: {  	_ =	shalt  }
0x7d: {  	_ =	shalt  }
0x7e: {  	_ =	shalt  }
0x7f: {  	_ =	shalt  }
0x80: {  	_ =	shalt  }
0x81: {  	_ =	shalt  }
0x82: {  	_ =	shalt  }
0x83: {  	_ =	shalt  }
0x84: {  	_ =	shalt  }
0x85: {  	_ =	shalt  }
0x86: {  	_ =	shalt  }
0x87: {  	_ =	shalt  }
.Lfunc_end0:
.L_simem_size_0:
called_computation.1_lowered:
.L_overlay_start_0:
0x88: {  	s0 =	sld [smem:$0x3FD9]  }
0x89: {  	s1 =	sld [smem:$0x3FFE];
	_ =	sdelay $0x3  }
0x8a: {  	s0 =	sadd.s32 s1, s0  }
0x8b: {  	[smem:$0x3FBF] =	sst s0  }
0x8c: {  	_ = 	snop  }
0x8d: {  	(tm) =	ssettm $0x1  }
0x8e: {  	s15 =	sld [smem:$0x3FFB];
	_ =	sdelay $0x3  }
0x8f: {  	_ =	strace s15  }
0x90: {  	s0 =	sld [smem:$0x3FFC];
	_ =	sdelay $0x3  }
0x91: {  	_ =	strace s0  }
0x92: {  	s0 =	sld [smem:$0x3FFD];
	_ =	sdelay $0x3  }
0x93: {  	_ =	strace s0  }
0x94: {  	_ =	strace $0x8FFFFFFF  }
0x95: {  	s16 =	sld [smem:$0x3FDB];
	_ =	sdelay $0x1  }
0x96: {  	s17 =	simm.s32 $_scs_section_size  }
0x97: {  	s2 =	simm.s32 $_size__tile_overlayer_lowered;
	s3 =	simm.s32 $_tile_overlayer_lowered  }
0x98: {  	s20 =	simm.s32 $0x1BFF;
	s19 =	sshll.u32 s3, $0x1;
	s0 =	sadd.s32 s17, s16  }
0x99: {  	s4 =	simm.s32 $0x0;
	s18 =	sshll.u32 s2, $0x1;
	s2 =	sadd.s32 s19, s0  }
0x9a: {  	[timem:s4], [sflag:s20] =	dma.local [hbm:s2], s18  }
0x9b: {  	_ =	swait.ge [sflag:s20], s18  }
0x9c: {  	s1 =	ssub.s32 $0x0, s18;
	[sflag:s20] =	ssyncset.done $0x0  }
0x9d: {  	[sflag:s20] =	ssyncadd.s32 s1;
	_ =	sdelay $0x1  }
0x9e: {  	s21 =	simm.s32 $0x1B8B  }
0x9f: {  	_ =	swait.ge [sflag:s21], $0x1  }
0xa0: {  	[sflag:s21] =	ssyncset.done $0x0  }
0xa1: {  	s23 =	simm.s32 $0x1B8E;
	s22 =	sld [smem:$0x3FFE];
	[sflag:s21] =	ssyncadd.s32 $0xFFFFFFFF  }
0xa2: {  	s24 =	simm.s32 $execute0_lowered;
	[smem:$0x3FD2] =	sst s23  }
0xa3: {  	s2 =	sshll.u32 s24, $0x1;
	_ =	strace $0x80000046;
	[dreg:$0x1] =	wrdreg $0xFFFFFFFF  }
0xa4: {  	s25 =	simm.s32 $_size_execute0_lowered;
	s0 =	sadd.s32 s0, s2;
	[dreg:$0x0] =	wrdreg $0x0  }
0xa5: {  	s2 =	sshll.u32 s25, $0x1;
	[dreg:$0x2] =	wrdreg s0  }
0xa6: {  	[dreg:$0x3] =	wrdreg s2  }
0xa7: {  	[dreg:$0x4] =	wrdreg $0xC0  }
0xa8: {  	_ =	task [dreg:s4], $0x5FFFF  }
0xa9: {  	[dreg:$0x1] =	wrdreg $0xFFFFFFFF  }
0xaa: {  	[dreg:$0x0] =	wrdreg $0x60  }
0xab: {  	[dreg:$0x2] =	wrdreg s22  }
0xac: {  	[dreg:$0x3] =	wrdreg $0x9  }
0xad: {  	_ =	task.clear_ibuf [dreg:s4], $0x4FFFF;
	_ =	strace $0x90000046  }
0xae: {  	s26 =	simm.s32 $0x9;
	_ =	strace $0x80000048  }
0xaf: {  	_ =	swait.ge [sflag:s26], $0x1  }
0xb0: {  	[sflag:s26] =	ssyncadd.s32 $0xFFFFFFFF  }
0xb1: {  	_ =	strace $0x90000048  }
0xb2: {  	_ =	sfence  }
0xb3: {  	s28 =	sld [smem:$0x0];
	_ =	sdelay $0x1  }
0xb4: {  	s29 =	srdreg.scid  }
0xb5: {  	s30 =	sshll.u32 s29, $0xD;
	s31 =	sshrl.u32 s29, $0x2  }
0xb6: {  	s1 =	sand.u32 $0x1, s29;
	s2 =	sand.u32 $0x4000, s30;
	s0 =	sadd.s32 s31, s28  }
0xb7: {  	s1 =	sor.u32 s2, s1;
	s0 =	sshll.u32 s0, $0x11  }
0xb8: {  	s0 =	sor.u32 s0, s1  }
0xb9: {  	s0 =	sadd.s32 $0x8F2B, s0  }
0xba: {  	[sflag:s0] =	ssyncadd.remote.s32 $0x1  }
0xbb: {  	_ =	sfence.sel $0xFFFF  }
0xbc: {  	[dreg:$0x0] =	wrdreg $0xFFFFFFFF;
	(pc) =	sbr.abs _section_cstart, $3  }
0xbd: {  	[dreg:$0x1] =	wrdreg $0xFFFFFFFF  }
0xbe: {  	_ =	task.clear_ibuf [dreg:s4], $0x2FFFF;
	_ =	strace $0x9FFFFFFF  }
0xbf: {  	(tm) =	ssettm $0x7FFFFFFF  }
tec
execute0_lowered:
.L_overlay_start_1:
0x0: {  	(tag) =	ssettag $0x1  }
0x1: {  	s8 =	rddreg [dreg:$0x0]  }
0x2: {  	s0 =	rddreg [dreg:$0x1];
	_ =	strace $0x80000047  }
0x3: {  	s1 =	stileid.u32;
	s5 =	simm.s32 $0x1;
	s6 =	simm.s32 $0x4B00  }
0x4: {  	s9 =	simm.s32 $0x1;
	s10 =	simm.s32 $0x3;
	s13 =	simm.s32 $0x0  }
0x5: {  	s12 =	simm.s32 $0x0;
	s2 =	sadd.s32 $0x3400, s8;
	s4 =	smul.u32 $0x4B0, s1  }
0x6: {  	s3 =	sadd.s32 $0x2400, s8;
	p0 =	slt.u32 s1, $0xA;
	[sflag:s5] =	ssyncpa.u1 $0x0  }
.Ltmp0:
0x7: {  	s6 =	simm.s32 @!p0 $0x0;
	s7 =	ssub.s32 $0x7530, s4;
	(pc) =	sbr.rel .LBB2_1-.Ltmp0, $4  }
0x8: {  	s9 =	simm.s32 @!p0 $0x0;
	p0 =	sne.s32 s7, s6;
	s7 =	simm.s32 $0x1  }
0x9: {  	s8 =	sadd.s32 $0x10600, s8;
	s6 =	simm.s32 $0x2;
	s7 =	simm.s32 @!p0 $0x0  }
0xa: {  	s11 =	smov.u32 s4;
	[sflag:s6] =	ssyncpa.u1 $0x0;
	s7 =	sadd.s32 s9, s7  }
0xb: {  	vm0 =	vmmov $0xffff;
	[sflag:s10] =	ssyncpa.u1 $0x0;
	s10 =	simm.s32 $0x0;
	s9 =	sadd.s32 $0x1, s7  }
.LBB2_4:
0xc: {  	v2 =	vnsel vm1, $0x0, v2  }
0xd: {  	vm1 =	vgt.s32 v0, $0x0;
	v2 =	vmin.u32 v2, $0x689FF  }
0xe: {  	v0 =	vnsel vm1, $0x0, v0  }
0xf: {  	v0 =	vmin.u32 v0, $0x689FF  }
0x10: {  	[tilespmem:s18], [sflag:$0x1] =	stream.indirect_vreg.gather [hbm4b:s2+s10], $0x1, v1, vm0, $0x4038;
	[tilespmem:$0x12C0] =	vst v63  }
0x11: {  	(ifvalue) =	ssetifvalue $0x7FFFFFFF  }
0x12: {  	[tilespmem:s15], [sflag:$0x1] =	stream.indirect_vreg.gather [hbm4b:s2+s10], $0x1, v2, vm0, $0x4038;
	[tilespmem:$0x12C0] =	vst v63  }
0x13: {  	s29 =	sadd.s32 $0x10, s15;
	(ifvalue) =	ssetifvalue $0x7FFFFFFF  }
0x14: {  	[tilespmem:s29], [sflag:$0x1] =	stream.indirect_vreg.gather [hbm4b:s2+s10], $0x1, v0, vm0, $0x4038;
	[tilespmem:$0x12C0] =	vst v63  }
0x15: {  	_ =	swait.ge [sflag:s5], $0x4B0  }
0x16: {  	s30 =	sshrl.u32 s13, $0x3;
	[sflag:s5] =	ssyncset.done $0x0  }
0x17: {  	s31 =	sand.u32 $0x7, s13;
	s15 =	sadd.s32 s8, s30;
	[sflag:s5] =	ssyncadd.s32 $0xFFFFFB50  }
0x18: {  	[hbm4b:s15+s31] =	stream.linear.scatter [tilespmem:s14], [sflag:$0x3], $0x4B0, $0x38;
	[tilespmem:$0x12C0] =	vst v63  }
.LBB2_5:
0x19: {  	s15 =	sadd.s32 $0x4B00, s11  }
0x1a: {  	p1 =	sgt.s32 s15, $0x752F  }
0x1b: {  	s15 =	smov.u32 @p1 s4;
	p1 =	sne.s32 s12, s9  }
.Ltmp1:
0x1c: {  	p0 =	slt.u32 s12, $0x2;
	(pc) =	sbr.rel @!p1 .LBB2_6-.Ltmp1, $4  }
0x1d: {  	s14 =	simm.s32 @!p0 $0x3  }
0x1e: {  	_ =	swait.ge @!p0 [sflag:s14], $0x4B0  }
0x1f: {  	s16 =	sadd.s32 $0x1, s12;
	s13 =	smov.u32 s11;
	[sflag:s14] =	ssyncset.done @!p0 $0x0  }
0x20: {  	s12 =	smov.u32 s16;
	s11 =	smov.u32 s15;
	[sflag:s14] =	ssyncadd.s32 @!p0 $0xFFFFFB50  }
.LBB2_1:
0x21: {  	p0 =	sge.u32 s12, s7  }
0x22: {  	s14 =	sxor.u32 @!p0 $0x1, s12  }
0x23: {  	s14 =	smul.u32 @!p0 $0x12C0, s14  }
0x24: {  	s31 =	sadd.s32 $0xFFFFFFFF, s12;
	s15 =	sshrl.u32 @!p0 s11, $0x3  }
0x25: {  	s16 =	sand.u32 @!p0 $0x7, s11;
	s15 =	sadd.s32 @!p0 s3, s15;
	s14 =	sshra.s32 @!p0 s14, $0x2  }
0x26: {  	[tilespmem:s14], [sflag:$0x2] =	stream.linear.gather @!p0 [hbm4b:s15+s16], $0x4B0, $0x38;
	[tilespmem:$0x12C0] =	vst v63  }
0x27: {  	p0 =	sge.u32 s31, s7  }
.Ltmp2:
0x28: {  	_ = 	snop;
	(pc) =	sbr.rel @p0 .LBB2_5-.Ltmp2, $1  }
0x29: {  	_ =	sdelay $0x3  }
0x2a: {  	s14 =	sand.u32 $0x1, s12  }
0x2b: {  	_ =	swait.ge [sflag:s6], $0x4B0;
	p0 =	seq.s32 s14, $0x1;
	s14 =	simm.s32 $0x4B0  }
0x2c: {  	[sflag:s6] =	ssyncset.done $0x0;
	s14 =	simm.s32 @!p0 $0x0  }
0x2d: {  	[sflag:s6] =	ssyncadd.s32 $0xFFFFFB50;
	(ifvalue) =	ssetifvalue $0x7FFFFFFF;
	v0 =	vld.msk [tilespmem:s14+$0x0 ss:$0x1], $0xffff;
	_ =	sdelay $0x4  }
0x2e: {  	s15 =	sadd.s32 $0x10, s14;
	vm1 =	vgt.s32 v0, $0x0  }
0x2f: {  	v2 =	vld.msk [tilespmem:s15+$0x0 ss:$0x1], $0xffff;
	v1 =	vnsel vm1, $0x0, v0  }
0x30: {  	v1 =	vmin.u32 v1, $0x689FF;
	_ =	sdelay $0x2  }
0x31: {  	s17 =	simm.s32 $0x20;
	s14 =	sadd.s32 $0x960, s14;
	s16 =	sadd.s32 $0x10, s15  }
0x32: {  	s15 =	sadd.s32 $0x10, s14;
	s18 =	smov.u32 s14;
	v0 =	vld.msk [tilespmem:s16+$0x0 ss:$0x1], $0xffff;
	vm1 =	vgt.s32 v2, $0x0;
	(ifvalue) =	ssetifvalue $0x7FFFFFFF  }
.LBB2_3:
0x33: {  	[tilespmem:s18], [sflag:$0x1] =	stream.indirect_vreg.gather [hbm4b:s2+s10], $0x1, v1, vm0, $0x4038;
	[tilespmem:$0x12C0] =	vst v63  }
0x34: {  	s17 =	sadd.s32 $0x10, s17  }
0x35: {  	v2 =	vnsel vm1, $0x0, v2;
	p0 =	slt.u32 s17, $0x4A0  }
.Ltmp3:
0x36: {  	s18 =	smov.u32 s15;
	v1 =	vmin.u32 v2, $0x689FF;
	(pc) =	sbr.rel @p0 .LBB2_3-.Ltmp3, $3  }
0x37: {  	_ =	sdelay $0x1  }
0x38: {  	s16 =	sadd.s32 $0x10, s16  }
0x39: {  	vm1 =	vgt.s32 v0, $0x0;
	s15 =	sadd.s32 $0x10, s15;
	v2 =	vmov v0;
	(ifvalue) =	ssetifvalue $0x7FFFFFFF;
	v0 =	vld.msk [tilespmem:s16+$0x0 ss:$0x1], $0xffff  }
.Ltmp4:
0x3a: {  	_ = 	snop;
	(pc) =	sbr.rel .LBB2_4-.Ltmp4, $1  }
0x3b: {  	_ =	sdelay $0x3  }
.LBB2_6:
0x3c: {  	_ =	sfence.sel $0x180000  }
0x3d: {  	s2 =	simm.s32 $0x2;
	[bflag:$0x0] =	sbarrier.arrive $0xFFFF  }
0x3e: {  	s30 =	simm.s32 $0x3;
	[sflag:s2] =	ssyncpa.u1 $0x1  }
0x3f: {  	s31 =	simm.s32 $0x1;
	[sflag:s30] =	ssyncpa.u1 $0x1  }
0x40: {  	[sflag:s31] =	ssyncpa.u1 $0x1  }
0x41: {  	p0 =	sne.s32 s1, $0x0;
	_ =	strace $0x90000047  }
0x42: {  	s0 =	sadd.s32 @!p0 $0x100000, s0;
	[bflag:$0x2] =	sbarrier.arrive $0xFFFF  }
0x43: {  	[sflag:s0] =	ssyncadd.tile.s32 @!p0 $0x1;
	_ =	shalt  }
.Lfunc_end2:
_tile_overlayer_lowered:
.L_overlay_start_2:
0x44: {  	(tag) =	ssettag $0x2  }
0x45: {  	s0 =	rddreg [dreg:$0x0];
	s2 =	stileid.u32  }
0x46: {  	s1 =	rddreg [dreg:$0x1];
	p0 =	sne.s32 s2, $0x0  }
0x47: {  	s3 =	rddreg [dreg:$0x2];
	[bflag:$0x3] =	sbarrier.arrive $0xFFFF;
	s2 =	simm.s32 @!p0 $0x1C01  }
0x48: {  	[timem:s3], [sflag:s2] =	dma.local @!p0 [hbm:s0], s1  }
0x49: {  	s0 =	simm.s32 @!p0 $0x1  }
0x4a: {  	_ =	swait.ge @!p0 [sflag:s0], s1  }
0x4b: {  	s1 =	ssub.s32 @!p0 $0x0, s1;
	[sflag:s0] =	ssyncset.done @!p0 $0x0  }
0x4c: {  	[sflag:s0] =	ssyncadd.s32 @!p0 s1  }
0x4d: {  	[bflag:$0x3] =	sbarrier.arrive $0xFFFF  }
0x4e: {  	_ =	shalt  }

// kernel: kernel.6.cloned.1.call-start
scs
__scs_entry_jumppad:
0x0: {  	(pc) =	sbr.rel $0x88, $3  }
0x1: {  	(tag) =	ssettag $0x0;
	lr =	simm.s32 $0x1  }
0x2: {  	[smem:$0x3F98] =	sst lr;
	_ =	strace $0xD0000000  }
0x3: {  	_ = 	snop  }
0x4: {  	_ = 	snop  }
0x5: {  	_ = 	snop  }
0x6: {  	_ = 	snop  }
0x7: {  	_ = 	snop  }
__scs_overlays_trampoline_lowered:
0x8: {  	[smem:$0x3FA7] =	sst s0  }
0x9: {  	[smem:$0x3FA8] =	sst s1  }
0xa: {  	[smem:$0x3FA9] =	sst s2  }
0xb: {  	[smem:$0x3FAA] =	sst s3  }
0xc: {  	[smem:$0x3FAB] =	sst s4  }
0xd: {  	[smem:$0x3FAC] =	sst s5  }
0xe: {  	[smem:$0x3FAD] =	sst s6  }
0xf: {  	[smem:$0x3FAE] =	sst s7  }
0x10: {  	[smem:$0x3FAF] =	sst s8  }
0x11: {  	[smem:$0x3FB0] =	sst s9;
	s0 =	simm.s32 @!p0 $0x0  }
0x12: {  	s1 =	sld [smem:$0x3F96];
	s0 =	simm.s32 @p0 $0x1  }
0x13: {  	[smem:$0x3FB1] =	sst s0;
	s0 =	simm.s32 @!p1 $0x0  }
0x14: {  	s2 =	sld [smem:$0x3F95];
	s0 =	simm.s32 @p1 $0x1  }
0x15: {  	[smem:$0x3FB2] =	sst s0;
	s0 =	simm.s32 @!p2 $0x0  }
0x16: {  	s3 =	sld [smem:$0x3FDB];
	s0 =	simm.s32 @p2 $0x1  }
0x17: {  	s4 =	simm.s32 $0x1BF5;
	[smem:$0x3FB4] =	sst s0  }
0x18: {  	s0 =	sld [smem:$0x3F97];
	_ =	swait.ge [sflag:s4], $0x0  }
0x19: {  	s7 =	sld [smem:$0x3F98]  }
0x1a: {  	s8 =	sadd.s32 $0xFFFFE003, lr  }
0x1b: {  	s9 =	sadd.s32 $0xFFFFFEF7, lr;
	s5 =	simm.s32 $0xFFFFFFFF;
	p2 =	slt.u32 s8, $0xFFFFF086  }
0x1c: {  	p1 =	slt.u32 s9, $0xF7A;
	s5 =	simm.s32 @!p2 $0x0  }
0x1d: {  	s5 =	simm.s32 @p1 $0x1;
	p0 =	seq.s32 s7, s2  }
0x1e: {  	s7 =	smul.u32 @!p0 $0xF7A, s2;
	p2 =	seq.s32 @!p0 s5, $0x0  }
0x1f: {  	s9 =	smul.u32 $0xF7A, s1;
	s8 =	simm.s32 @!p0 $0x1BF5;
	p2 =	por !p2, p0  }
0x20: {  	[sflag:s8] =	ssyncset.s32 @!p0 $0xFFFFF086;
	s6 =	sadd.s32 @!p0 s3, s7;
	s7 =	simm.s32 @!p0 $0x108  }
0x21: {  	s3 =	sadd.s32 s3, s9;
	s6 =	sadd.s32 @!p0 $0x88, s6;
	s7 =	simm.s32 @p2 $0x1082  }
0x22: {  	[simem:s7], [sflag:s8] =	dma.local @!p0 [hbm:s6], $0xF7A  }
0x23: {  	s9 =	sor.u32 $0xD0000000, s2;
	s6 =	simm.s32 $0x108;
	_ =	swait.ge @!p0 [sflag:s8], $0x0  }
0x24: {  	s3 =	sadd.s32 $0x88, s3;
	s6 =	simm.s32 @!p1 $0x1082;
	[sflag:s4] =	ssyncset.s32 $0xFFFFF086  }
0x25: {  	[simem:s6], [sflag:s4] =	dma.local [hbm:s3], $0xF7A  }
0x26: {  	[smem:$0x3F98] =	sst s1;
	(tag) =	ssettag s2;
	_ =	strace s9  }
0x27: {  	s1 =	sld [smem:$0x3FA8]  }
0x28: {  	s2 =	sld [smem:$0x3FA9]  }
0x29: {  	s4 =	sld [smem:$0x3FAB]  }
0x2a: {  	p0 =	seq.s32 s5, $0x0;
	s5 =	sld [smem:$0x3FAC]  }
0x2b: {  	s6 =	sld [smem:$0x3FAD]  }
0x2c: {  	s7 =	sld [smem:$0x3FAE]  }
0x2d: {  	s3 =	simm.s32 $0x108;
	s8 =	sld [smem:$0x3FAF]  }
0x2e: {  	s3 =	simm.s32 @!p0 $0x1082;
	s9 =	sld [smem:$0x3FB0]  }
0x2f: {  	lr =	sadd.s32 s0, s3;
	s0 =	sld [smem:$0x3FA7]  }
0x30: {  	s3 =	sld [smem:$0x3FAA]  }
0x31: {  	[smem:$0x3FB3] =	sst s10  }
0x32: {  	s10 =	sld [smem:$0x3FB1];
	_ =	sdelay $0x3  }
0x33: {  	p0 =	seq.s32 s10, $0x1;
	s10 =	sld [smem:$0x3FB3];
	_ =	sdelay $0x3  }
0x34: {  	[smem:$0x3FB3] =	sst s10  }
0x35: {  	s10 =	sld [smem:$0x3FB2];
	_ =	sdelay $0x3  }
0x36: {  	p1 =	seq.s32 s10, $0x1;
	s10 =	sld [smem:$0x3FB3];
	_ =	sdelay $0x3  }
0x37: {  	[smem:$0x3FB3] =	sst s10  }
0x38: {  	s10 =	sld [smem:$0x3FB4]  }
0x39: {  	_ = 	snop;
	(pc) =	sbr.ind lr, $3  }
0x3a: {  	_ = 	snop  }
0x3b: {  	_ = 	snop  }
0x3c: {  	p2 =	seq.s32 s10, $0x1;
	s10 =	sld [smem:$0x3FB3]  }
0x3d: {  	_ =	shalt  }
0x3e: {  	_ =	shalt  }
0x3f: {  	_ =	shalt  }
0x40: {  	_ =	shalt  }
0x41: {  	_ =	shalt  }
0x42: {  	_ =	shalt  }
0x43: {  	_ =	shalt  }
0x44: {  	_ =	shalt  }
0x45: {  	_ =	shalt  }
0x46: {  	_ =	shalt  }
0x47: {  	_ =	shalt  }
0x48: {  	_ =	shalt  }
0x49: {  	_ =	shalt  }
0x4a: {  	_ =	shalt  }
0x4b: {  	_ =	shalt  }
0x4c: {  	_ =	shalt  }
0x4d: {  	_ =	shalt  }
0x4e: {  	_ =	shalt  }
0x4f: {  	_ =	shalt  }
0x50: {  	_ =	shalt  }
0x51: {  	_ =	shalt  }
0x52: {  	_ =	shalt  }
0x53: {  	_ =	shalt  }
0x54: {  	_ =	shalt  }
0x55: {  	_ =	shalt  }
0x56: {  	_ =	shalt  }
0x57: {  	_ =	shalt  }
0x58: {  	_ =	shalt  }
0x59: {  	_ =	shalt  }
0x5a: {  	_ =	shalt  }
0x5b: {  	_ =	shalt  }
0x5c: {  	_ =	shalt  }
0x5d: {  	_ =	shalt  }
0x5e: {  	_ =	shalt  }
0x5f: {  	_ =	shalt  }
0x60: {  	_ =	shalt  }
0x61: {  	_ =	shalt  }
0x62: {  	_ =	shalt  }
0x63: {  	_ =	shalt  }
0x64: {  	_ =	shalt  }
0x65: {  	_ =	shalt  }
0x66: {  	_ =	shalt  }
0x67: {  	_ =	shalt  }
0x68: {  	_ =	shalt  }
0x69: {  	_ =	shalt  }
0x6a: {  	_ =	shalt  }
0x6b: {  	_ =	shalt  }
0x6c: {  	_ =	shalt  }
0x6d: {  	_ =	shalt  }
0x6e: {  	_ =	shalt  }
0x6f: {  	_ =	shalt  }
0x70: {  	_ =	shalt  }
0x71: {  	_ =	shalt  }
0x72: {  	_ =	shalt  }
0x73: {  	_ =	shalt  }
0x74: {  	_ =	shalt  }
0x75: {  	_ =	shalt  }
0x76: {  	_ =	shalt  }
0x77: {  	_ =	shalt  }
0x78: {  	_ =	shalt  }
0x79: {  	_ =	shalt  }
0x7a: {  	_ =	shalt  }
0x7b: {  	_ =	shalt  }
0x7c: {  	_ =	shalt  }
0x7d: {  	_ =	shalt  }
0x7e: {  	_ =	shalt  }
0x7f: {  	_ =	shalt  }
0x80: {  	_ =	shalt  }
0x81: {  	_ =	shalt  }
0x82: {  	_ =	shalt  }
0x83: {  	_ =	shalt  }
0x84: {  	_ =	shalt  }
0x85: {  	_ =	shalt  }
0x86: {  	_ =	shalt  }
0x87: {  	_ =	shalt  }
.Lfunc_end0:
.L_simem_size_0:
called_computation.2_lowered:
.L_overlay_start_0:
0x88: {  	s2 =	sld [smem:$0x3FD9]  }
0x89: {  	s3 =	sld [smem:$0x3FFE];
	_ =	sdelay $0x1  }
0x8a: {  	s1 =	srdreg.scid  }
0x8b: {  	s0 =	sand.u32 $0x1, s1  }
0x8c: {  	s17 =	sshll.u32 s0, $0xA;
	s2 =	sadd.s32 s3, s2  }
0x8d: {  	s2 =	sadd.s32 s2, s17  }
0x8e: {  	[smem:$0x3FBF] =	sst s2  }
0x8f: {  	_ = 	snop  }
0x90: {  	s2 =	sld [smem:$0x3FD0];
	(tm) =	ssettm $0x1  }
0x91: {  	s18 =	sld [smem:$0x3FFB];
	_ =	sdelay $0x3  }
0x92: {  	_ =	strace s18  }
0x93: {  	s3 =	sld [smem:$0x3FFC];
	_ =	sdelay $0x3  }
0x94: {  	_ =	strace s3  }
0x95: {  	s3 =	sld [smem:$0x3FFD];
	_ =	sdelay $0x3  }
0x96: {  	_ =	strace s3  }
0x97: {  	_ =	strace $0x8FFFFFFF  }
0x98: {  	s19 =	sld [smem:$0x3FDB];
	_ =	sdelay $0x1  }
0x99: {  	s4 =	simm.s32 $_scs_section_size  }
0x9a: {  	s5 =	simm.s32 $_size__tile_overlayer_lowered;
	s6 =	simm.s32 $_tile_overlayer_lowered  }
0x9b: {  	s22 =	simm.s32 $0x1BFF;
	s21 =	sshll.u32 s6, $0x1;
	s3 =	sadd.s32 s4, s19  }
0x9c: {  	s7 =	simm.s32 $0x0;
	s20 =	sshll.u32 s5, $0x1;
	s5 =	sadd.s32 s21, s3  }
0x9d: {  	[timem:s7], [sflag:s22] =	dma.local [hbm:s5], s20  }
0x9e: {  	_ =	swait.ge [sflag:s22], s20  }
0x9f: {  	s4 =	ssub.s32 $0x0, s20;
	[sflag:s22] =	ssyncset.done $0x0  }
0xa0: {  	[sflag:s22] =	ssyncadd.s32 s4;
	_ =	sdelay $0x1  }
0xa1: {  	s23 =	simm.s32 $0x1B8B  }
0xa2: {  	_ =	swait.ge [sflag:s23], $0x1  }
0xa3: {  	[sflag:s23] =	ssyncset.done $0x0  }
0xa4: {  	s25 =	simm.s32 $0x1B8E;
	s24 =	sld [smem:$0x3FFE];
	[sflag:s23] =	ssyncadd.s32 $0xFFFFFFFF  }
0xa5: {  	s26 =	simm.s32 $execute0_lowered;
	[smem:$0x3FD2] =	sst s25  }
0xa6: {  	s5 =	sshll.u32 s26, $0x1;
	_ =	strace $0x80000049;
	[dreg:$0x1] =	wrdreg $0xFFFFFFFF  }
0xa7: {  	s28 =	simm.s32 $_size_execute0_lowered;
	s3 =	sadd.s32 s3, s5;
	[dreg:$0x0] =	wrdreg $0x0  }
0xa8: {  	s5 =	sshll.u32 s28, $0x1;
	[dreg:$0x2] =	wrdreg s3  }
0xa9: {  	[dreg:$0x3] =	wrdreg s5  }
0xaa: {  	[dreg:$0x4] =	wrdreg $0xC0  }
0xab: {  	_ =	task [dreg:s7], $0x5FFFF  }
0xac: {  	[dreg:$0x1] =	wrdreg $0xFFFFFFFF  }
0xad: {  	[dreg:$0x0] =	wrdreg $0x60  }
0xae: {  	[dreg:$0x2] =	wrdreg s2  }
0xaf: {  	[dreg:$0x3] =	wrdreg s24  }
0xb0: {  	[dreg:$0x4] =	wrdreg $0x9  }
0xb1: {  	_ =	task.clear_ibuf [dreg:s7], $0x5FFFF;
	_ =	strace $0x90000049  }
0xb2: {  	s29 =	simm.s32 $0x9;
	_ =	strace $0x8000004B  }
0xb3: {  	_ =	swait.ge [sflag:s29], $0x1  }
0xb4: {  	[sflag:s29] =	ssyncadd.s32 $0xFFFFFFFF  }
0xb5: {  	_ =	strace $0x9000004B  }
0xb6: {  	_ =	sfence  }
0xb7: {  	s30 =	sld [smem:$0x0];
	_ =	sdelay $0x2  }
0xb8: {  	s31 =	sshll.u32 s1, $0xD;
	s1 =	sshrl.u32 s1, $0x2  }
0xb9: {  	s3 =	sand.u32 $0x4000, s31;
	s1 =	sadd.s32 s1, s30  }
0xba: {  	s0 =	sor.u32 s3, s0;
	s1 =	sshll.u32 s1, $0x11  }
0xbb: {  	s0 =	sor.u32 s1, s0  }
0xbc: {  	s0 =	sadd.s32 $0x8F2B, s0  }
0xbd: {  	[sflag:s0] =	ssyncadd.remote.s32 $0x1  }
0xbe: {  	_ =	sfence.sel $0xFFFF  }
0xbf: {  	[dreg:$0x0] =	wrdreg $0xFFFFFFFF;
	(pc) =	sbr.abs _section_cstart, $3  }
0xc0: {  	[dreg:$0x1] =	wrdreg $0xFFFFFFFF  }
0xc1: {  	_ =	task.clear_ibuf [dreg:s7], $0x2FFFF;
	_ =	strace $0x9FFFFFFF  }
0xc2: {  	(tm) =	ssettm $0x7FFFFFFF  }
0xc3: {  	_ =	shalt  }
tec
execute0_lowered:
.L_overlay_start_1:
0x0: {  	(tag) =	ssettag $0x1  }
0x1: {  	s1 =	srdreg.scid  }
0x2: {  	s2 =	rddreg [dreg:$0x0];
	s0 =	stileid.u32;
	s29 =	sand.u32 $0x1, s1  }
0x3: {  	s11 =	rddreg [dreg:$0x1];
	s4 =	sshll.u32 s0, $0x8;
	s5 =	sshll.u32 s29, $0x7  }
0x4: {  	s3 =	simm.s32 $0x0;
	s1 =	rddreg [dreg:$0x2];
	s4 =	sor.u32 s5, s4  }
0x5: {  	[smem:$0x7FF] =	sst s3;
	s6 =	sadd.s32 s4, s11  }
0x6: {  	_ =	strace $0x8000004A;
	s5 =	simm.s32 $0x1;
	s4 =	sadd.s32 $0x12600, s6  }
0x7: {  	[tilespmem:s3], [sflag:$0x1] =	stream.linear.gather [hbm4b:s4+s3], $0x400, $0x38;
	[tilespmem:$0x8800] =	vst v63  }
0x8: {  	_ =	swait.ge [sflag:s5], $0x400  }
0x9: {  	[sflag:s5] =	ssyncset.done $0x0  }
0xa: {  	s7 =	simm.s32 $0x400;
	s6 =	sadd.s32 $0x11600, s6;
	[sflag:s5] =	ssyncadd.s32 $0xFFFFFC00  }
0xb: {  	[tilespmem:s7], [sflag:$0x1] =	stream.linear.gather [hbm4b:s6+s3], $0x400, $0x38;
	[tilespmem:$0x8800] =	vst v63  }
0xc: {  	_ =	swait.ge [sflag:s5], $0x400  }
0xd: {  	s8 =	simm.s32 $0x80;
	[sflag:s5] =	ssyncset.done $0x0  }
0xe: {  	s9 =	simm.s32 $0x800;
	s10 =	simm.s32 $0x2;
	[sflag:s5] =	ssyncadd.s32 $0xFFFFFC00  }
0xf: {  	[tilespmem:s9], [sflag:$0x2] =	stream.indirect.gather [hbm4b:s2+s8], $0x80, s3, s8, $0xb8;
	[tilespmem:$0x8800] =	vst v63  }
0x10: {  	_ =	swait.ge [sflag:s10], $0x4000  }
0x11: {  	[sflag:s10] =	ssyncset.done $0x0  }
0x12: {  	s11 =	sadd.s32 $0x13600, s11;
	[sflag:s10] =	ssyncadd.s32 $0xFFFFC000  }
0x13: {  	[hbm4b:s11+s8] =	stream.indirect.scatter [tilespmem:s9], [sflag:$0x4], $0x80, s7, s8, $0xb8;
	[tilespmem:$0x8800] =	vst v63  }
0x14: {  	s12 =	simm.s32 $0x4800;
	s13 =	simm.s32 $0x3  }
0x15: {  	[tilespmem:s12], [sflag:$0x3] =	stream.indirect.gather [hbm4b:s2+s8], $0x80, s8, s8, $0xb8;
	[tilespmem:$0x8800] =	vst v63  }
0x16: {  	_ =	swait.ge [sflag:s13], $0x4000  }
0x17: {  	[sflag:s13] =	ssyncset.done $0x0  }
0x18: {  	s14 =	simm.s32 $0x480;
	s15 =	simm.s32 $0x4;
	[sflag:s13] =	ssyncadd.s32 $0xFFFFC000  }
0x19: {  	[hbm4b:s11+s8] =	stream.indirect.scatter [tilespmem:s12], [sflag:$0x5], $0x80, s14, s8, $0xb8;
	[tilespmem:$0x8800] =	vst v63  }
0x1a: {  	_ =	swait.ge [sflag:s15], $0x4000  }
0x1b: {  	[sflag:s15] =	ssyncset.done $0x0  }
0x1c: {  	s16 =	simm.s32 $0x100;
	[sflag:s15] =	ssyncadd.s32 $0xFFFFC000  }
0x1d: {  	[tilespmem:s9], [sflag:$0x2] =	stream.indirect.gather [hbm4b:s2+s8], $0x80, s16, s8, $0xb8;
	[tilespmem:$0x8800] =	vst v63  }
0x1e: {  	_ =	swait.ge [sflag:s10], $0x4000  }
0x1f: {  	[sflag:s10] =	ssyncset.done $0x0  }
0x20: {  	s18 =	simm.s32 $0x500;
	s17 =	simm.s32 $0x5;
	[sflag:s10] =	ssyncadd.s32 $0xFFFFC000  }
0x21: {  	[hbm4b:s11+s8] =	stream.indirect.scatter [tilespmem:s9], [sflag:$0x4], $0x80, s18, s8, $0xb8;
	[tilespmem:$0x8800] =	vst v63  }
0x22: {  	_ =	swait.ge [sflag:s17], $0x4000  }
0x23: {  	[sflag:s17] =	ssyncset.done $0x0  }
0x24: {  	s19 =	simm.s32 $0x180;
	[sflag:s17] =	ssyncadd.s32 $0xFFFFC000  }
0x25: {  	[tilespmem:s12], [sflag:$0x3] =	stream.indirect.gather [hbm4b:s2+s8], $0x80, s19, s8, $0xb8;
	[tilespmem:$0x8800] =	vst v63  }
0x26: {  	_ =	swait.ge [sflag:s13], $0x4000  }
0x27: {  	[sflag:s13] =	ssyncset.done $0x0  }
0x28: {  	s20 =	simm.s32 $0x580;
	[sflag:s13] =	ssyncadd.s32 $0xFFFFC000  }
0x29: {  	[hbm4b:s11+s8] =	stream.indirect.scatter [tilespmem:s12], [sflag:$0x5], $0x80, s20, s8, $0xb8;
	[tilespmem:$0x8800] =	vst v63  }
0x2a: {  	_ =	swait.ge [sflag:s15], $0x4000  }
0x2b: {  	[sflag:s15] =	ssyncset.done $0x0  }
0x2c: {  	s21 =	simm.s32 $0x200;
	[sflag:s15] =	ssyncadd.s32 $0xFFFFC000  }
0x2d: {  	[tilespmem:s9], [sflag:$0x2] =	stream.indirect.gather [hbm4b:s2+s8], $0x80, s21, s8, $0xb8;
	[tilespmem:$0x8800] =	vst v63  }
0x2e: {  	_ =	swait.ge [sflag:s10], $0x4000  }
0x2f: {  	[sflag:s10] =	ssyncset.done $0x0  }
0x30: {  	s22 =	simm.s32 $0x600;
	[sflag:s10] =	ssyncadd.s32 $0xFFFFC000  }
0x31: {  	[hbm4b:s11+s8] =	stream.indirect.scatter [tilespmem:s9], [sflag:$0x4], $0x80, s22, s8, $0xb8;
	[tilespmem:$0x8800] =	vst v63  }
0x32: {  	_ =	swait.ge [sflag:s17], $0x4000  }
0x33: {  	[sflag:s17] =	ssyncset.done $0x0  }
0x34: {  	s23 =	simm.s32 $0x280;
	[sflag:s17] =	ssyncadd.s32 $0xFFFFC000  }
0x35: {  	[tilespmem:s12], [sflag:$0x3] =	stream.indirect.gather [hbm4b:s2+s8], $0x80, s23, s8, $0xb8;
	[tilespmem:$0x8800] =	vst v63  }
0x36: {  	_ =	swait.ge [sflag:s13], $0x4000  }
0x37: {  	[sflag:s13] =	ssyncset.done $0x0  }
0x38: {  	s24 =	simm.s32 $0x680;
	[sflag:s13] =	ssyncadd.s32 $0xFFFFC000  }
0x39: {  	[hbm4b:s11+s8] =	stream.indirect.scatter [tilespmem:s12], [sflag:$0x5], $0x80, s24, s8, $0xb8;
	[tilespmem:$0x8800] =	vst v63  }
0x3a: {  	_ =	swait.ge [sflag:s15], $0x4000  }
0x3b: {  	[sflag:s15] =	ssyncset.done $0x0  }
0x3c: {  	s25 =	simm.s32 $0x300;
	[sflag:s15] =	ssyncadd.s32 $0xFFFFC000  }
0x3d: {  	[tilespmem:s9], [sflag:$0x2] =	stream.indirect.gather [hbm4b:s2+s8], $0x80, s25, s8, $0xb8;
	[tilespmem:$0x8800] =	vst v63  }
0x3e: {  	_ =	swait.ge [sflag:s10], $0x4000  }
0x3f: {  	[sflag:s10] =	ssyncset.done $0x0  }
0x40: {  	s26 =	simm.s32 $0x700;
	[sflag:s10] =	ssyncadd.s32 $0xFFFFC000  }
0x41: {  	[hbm4b:s11+s8] =	stream.indirect.scatter [tilespmem:s9], [sflag:$0x4], $0x80, s26, s8, $0xb8;
	[tilespmem:$0x8800] =	vst v63  }
0x42: {  	_ =	swait.ge [sflag:s17], $0x4000  }
0x43: {  	s30 =	ssub.s32 $0x2, s29;
	[sflag:s17] =	ssyncset.done $0x0  }
0x44: {  	s28 =	simm.s32 $0x380;
	s31 =	sshrl.u32 s30, $0x1;
	[sflag:s17] =	ssyncadd.s32 $0xFFFFC000  }
0x45: {  	[tilespmem:s12], [sflag:$0x3] =	stream.indirect.gather [hbm4b:s2+s8], $0x80, s28, s8, $0xb8;
	[tilespmem:$0x8800] =	vst v63  }
0x46: {  	s30 =	ssub.s32 s30, s31;
	_ =	swait.ge [sflag:s13], $0x4000  }
0x47: {  	s30 =	smax.u32 s30, $0x1;
	[sflag:s13] =	ssyncset.done $0x0  }
0x48: {  	s29 =	simm.s32 $0x780;
	p0 =	sne.s32 s30, $0x1;
	[sflag:s13] =	ssyncadd.s32 $0xFFFFC000  }
0x49: {  	[hbm4b:s11+s8] =	stream.indirect.scatter [tilespmem:s12], [sflag:$0x5], $0x80, s29, s8, $0xb8;
	[tilespmem:$0x8800] =	vst v63  }
.Ltmp0:
0x4a: {  	_ =	swait.ge [sflag:s15], $0x4000;
	(pc) =	sbr.rel @!p0 .LBB2_2-.Ltmp0, $4  }
0x4b: {  	[sflag:s15] =	ssyncset.done $0x0  }
0x4c: {  	[sflag:s15] =	ssyncadd.s32 $0xFFFFC000  }
0x4d: {  	_ =	swait.ge [sflag:s17], $0x4000  }
0x4e: {  	s30 =	sadd.s32 $0xFFFFFFFF, s30;
	[sflag:s17] =	ssyncset.done $0x0  }
.LBB2_1:
0x4f: {  	p0 =	sne.s32 s30, $0x1;
	s30 =	sadd.s32 $0xFFFFFFFF, s30;
	[sflag:s17] =	ssyncadd.s32 $0xFFFFC000  }
0x50: {  	[tilespmem:s3], [sflag:$0x1] =	stream.linear.gather [hbm4b:s4+s3], $0x400, $0x38;
	[tilespmem:$0x8800] =	vst v63  }
0x51: {  	_ =	swait.ge [sflag:s5], $0x400  }
0x52: {  	[sflag:s5] =	ssyncset.done $0x0  }
0x53: {  	[sflag:s5] =	ssyncadd.s32 $0xFFFFFC00  }
0x54: {  	[tilespmem:s7], [sflag:$0x1] =	stream.linear.gather [hbm4b:s6+s3], $0x400, $0x38;
	[tilespmem:$0x8800] =	vst v63  }
0x55: {  	_ =	swait.ge [sflag:s5], $0x400  }
0x56: {  	[sflag:s5] =	ssyncset.done $0x0  }
0x57: {  	[sflag:s5] =	ssyncadd.s32 $0xFFFFFC00  }
0x58: {  	[tilespmem:s9], [sflag:$0x2] =	stream.indirect.gather [hbm4b:s2+s8], $0x80, s3, s8, $0xb8;
	[tilespmem:$0x8800] =	vst v63  }
0x59: {  	_ =	swait.ge [sflag:s10], $0x4000  }
0x5a: {  	[sflag:s10] =	ssyncset.done $0x0  }
0x5b: {  	[sflag:s10] =	ssyncadd.s32 $0xFFFFC000  }
0x5c: {  	[hbm4b:s11+s8] =	stream.indirect.scatter [tilespmem:s9], [sflag:$0x4], $0x80, s7, s8, $0xb8;
	[tilespmem:$0x8800] =	vst v63  }
0x5d: {  	_ = 	snop  }
0x5e: {  	[tilespmem:s12], [sflag:$0x3] =	stream.indirect.gather [hbm4b:s2+s8], $0x80, s8, s8, $0xb8;
	[tilespmem:$0x8800] =	vst v63  }
0x5f: {  	_ =	swait.ge [sflag:s13], $0x4000  }
0x60: {  	[sflag:s13] =	ssyncset.done $0x0  }
0x61: {  	[sflag:s13] =	ssyncadd.s32 $0xFFFFC000  }
0x62: {  	[hbm4b:s11+s8] =	stream.indirect.scatter [tilespmem:s12], [sflag:$0x5], $0x80, s14, s8, $0xb8;
	[tilespmem:$0x8800] =	vst v63  }
0x63: {  	_ =	swait.ge [sflag:s15], $0x4000  }
0x64: {  	[sflag:s15] =	ssyncset.done $0x0  }
0x65: {  	[sflag:s15] =	ssyncadd.s32 $0xFFFFC000  }
0x66: {  	[tilespmem:s9], [sflag:$0x2] =	stream.indirect.gather [hbm4b:s2+s8], $0x80, s16, s8, $0xb8;
	[tilespmem:$0x8800] =	vst v63  }
0x67: {  	_ =	swait.ge [sflag:s10], $0x4000  }
0x68: {  	[sflag:s10] =	ssyncset.done $0x0  }
0x69: {  	[sflag:s10] =	ssyncadd.s32 $0xFFFFC000  }
0x6a: {  	[hbm4b:s11+s8] =	stream.indirect.scatter [tilespmem:s9], [sflag:$0x4], $0x80, s18, s8, $0xb8;
	[tilespmem:$0x8800] =	vst v63  }
0x6b: {  	_ =	swait.ge [sflag:s17], $0x4000  }
0x6c: {  	[sflag:s17] =	ssyncset.done $0x0  }
0x6d: {  	[sflag:s17] =	ssyncadd.s32 $0xFFFFC000  }
0x6e: {  	[tilespmem:s12], [sflag:$0x3] =	stream.indirect.gather [hbm4b:s2+s8], $0x80, s19, s8, $0xb8;
	[tilespmem:$0x8800] =	vst v63  }
0x6f: {  	_ =	swait.ge [sflag:s13], $0x4000  }
0x70: {  	[sflag:s13] =	ssyncset.done $0x0  }
0x71: {  	[sflag:s13] =	ssyncadd.s32 $0xFFFFC000  }
0x72: {  	[hbm4b:s11+s8] =	stream.indirect.scatter [tilespmem:s12], [sflag:$0x5], $0x80, s20, s8, $0xb8;
	[tilespmem:$0x8800] =	vst v63  }
0x73: {  	_ =	swait.ge [sflag:s15], $0x4000  }
0x74: {  	[sflag:s15] =	ssyncset.done $0x0  }
0x75: {  	[sflag:s15] =	ssyncadd.s32 $0xFFFFC000  }
0x76: {  	[tilespmem:s9], [sflag:$0x2] =	stream.indirect.gather [hbm4b:s2+s8], $0x80, s21, s8, $0xb8;
	[tilespmem:$0x8800] =	vst v63  }
0x77: {  	_ =	swait.ge [sflag:s10], $0x4000  }
0x78: {  	[sflag:s10] =	ssyncset.done $0x0  }
0x79: {  	[sflag:s10] =	ssyncadd.s32 $0xFFFFC000  }
0x7a: {  	[hbm4b:s11+s8] =	stream.indirect.scatter [tilespmem:s9], [sflag:$0x4], $0x80, s22, s8, $0xb8;
	[tilespmem:$0x8800] =	vst v63  }
0x7b: {  	_ =	swait.ge [sflag:s17], $0x4000  }
0x7c: {  	[sflag:s17] =	ssyncset.done $0x0  }
0x7d: {  	[sflag:s17] =	ssyncadd.s32 $0xFFFFC000  }
0x7e: {  	[tilespmem:s12], [sflag:$0x3] =	stream.indirect.gather [hbm4b:s2+s8], $0x80, s23, s8, $0xb8;
	[tilespmem:$0x8800] =	vst v63  }
0x7f: {  	_ =	swait.ge [sflag:s13], $0x4000  }
0x80: {  	[sflag:s13] =	ssyncset.done $0x0  }
0x81: {  	[sflag:s13] =	ssyncadd.s32 $0xFFFFC000  }
0x82: {  	[hbm4b:s11+s8] =	stream.indirect.scatter [tilespmem:s12], [sflag:$0x5], $0x80, s24, s8, $0xb8;
	[tilespmem:$0x8800] =	vst v63  }
0x83: {  	_ =	swait.ge [sflag:s15], $0x4000  }
0x84: {  	[sflag:s15] =	ssyncset.done $0x0  }
0x85: {  	[sflag:s15] =	ssyncadd.s32 $0xFFFFC000  }
0x86: {  	[tilespmem:s9], [sflag:$0x2] =	stream.indirect.gather [hbm4b:s2+s8], $0x80, s25, s8, $0xb8;
	[tilespmem:$0x8800] =	vst v63  }
0x87: {  	_ =	swait.ge [sflag:s10], $0x4000  }
0x88: {  	[sflag:s10] =	ssyncset.done $0x0  }
0x89: {  	[sflag:s10] =	ssyncadd.s32 $0xFFFFC000  }
0x8a: {  	[hbm4b:s11+s8] =	stream.indirect.scatter [tilespmem:s9], [sflag:$0x4], $0x80, s26, s8, $0xb8;
	[tilespmem:$0x8800] =	vst v63  }
0x8b: {  	_ =	swait.ge [sflag:s17], $0x4000  }
0x8c: {  	[sflag:s17] =	ssyncset.done $0x0  }
0x8d: {  	[sflag:s17] =	ssyncadd.s32 $0xFFFFC000  }
0x8e: {  	[tilespmem:s12], [sflag:$0x3] =	stream.indirect.gather [hbm4b:s2+s8], $0x80, s28, s8, $0xb8;
	[tilespmem:$0x8800] =	vst v63  }
0x8f: {  	_ =	swait.ge [sflag:s13], $0x4000  }
0x90: {  	[sflag:s13] =	ssyncset.done $0x0  }
0x91: {  	[sflag:s13] =	ssyncadd.s32 $0xFFFFC000  }
0x92: {  	[hbm4b:s11+s8] =	stream.indirect.scatter [tilespmem:s12], [sflag:$0x5], $0x80, s29, s8, $0xb8;
	[tilespmem:$0x8800] =	vst v63  }
.Ltmp1:
0x93: {  	_ =	swait.ge [sflag:s15], $0x4000;
	(pc) =	sbr.rel @p0 .LBB2_1-.Ltmp1, $4  }
0x94: {  	[sflag:s15] =	ssyncset.done $0x0  }
0x95: {  	[sflag:s15] =	ssyncadd.s32 $0xFFFFC000  }
0x96: {  	_ =	swait.ge [sflag:s17], $0x4000  }
0x97: {  	[sflag:s17] =	ssyncset.done $0x0  }
.LBB2_2:
0x98: {  	[sflag:s17] =	ssyncadd.s32 $0xFFFFC000  }
0x99: {  	_ =	sfence.sel $0x180000  }
0x9a: {  	[bflag:$0x0] =	sbarrier.arrive $0xFFFF  }
0x9b: {  	p0 =	sne.s32 s0, $0x0;
	_ =	strace $0x9000004A  }
0x9c: {  	s0 =	sadd.s32 @!p0 $0x100000, s1;
	[bflag:$0x2] =	sbarrier.arrive $0xFFFF  }
0x9d: {  	[sflag:s0] =	ssyncadd.tile.s32 @!p0 $0x1;
	_ =	shalt  }
.Lfunc_end2:
_tile_overlayer_lowered:
.L_overlay_start_2:
0x9e: {  	(tag) =	ssettag $0x2  }
0x9f: {  	s0 =	rddreg [dreg:$0x0];
	s2 =	stileid.u32  }
0xa0: {  	s1 =	rddreg [dreg:$0x1];
	p0 =	sne.s32 s2, $0x0  }
0xa1: {  	s3 =	rddreg [dreg:$0x2];
	[bflag:$0x3] =	sbarrier.arrive $0xFFFF;
	s2 =	simm.s32 @!p0 $0x1C06  }
0xa2: {  	[timem:s3], [sflag:s2] =	dma.local @!p0 [hbm:s0], s1  }
0xa3: {  	s0 =	simm.s32 @!p0 $0x6  }
0xa4: {  	_ =	swait.ge @!p0 [sflag:s0], s1  }
0xa5: {  	s1 =	ssub.s32 @!p0 $0x0, s1;
	[sflag:s0] =	ssyncset.done @!p0 $0x0  }
0xa6: {  	[sflag:s0] =	ssyncadd.s32 @!p0 s1  }
0xa7: {  	[bflag:$0x3] =	sbarrier.arrive $0xFFFF  }
0xa8: {  	_ =	shalt  }

// kernel: sparse-core-data-format-call.cloned.1.call-start
scs
called_computation_lowered:
.L_overlay_start_0:
0x0: {  	s2 =	sld [smem:$0x3FD9]  }
0x1: {  	s3 =	sld [smem:$0x3FFE];
	_ =	sdelay $0x1  }
0x2: {  	s1 =	srdreg.scid  }
0x3: {  	s0 =	sand.u32 $0x1, s1  }
0x4: {  	s18 =	sshll.u32 s0, $0xA;
	s2 =	sadd.s32 s3, s2  }
0x5: {  	s2 =	sadd.s32 s2, s18  }
0x6: {  	[smem:$0x3FBF] =	sst s2  }
0x7: {  	_ = 	snop  }
0x8: {  	s2 =	sld [smem:$0x3FD0];
	(tm) =	ssettm $0x1  }
0x9: {  	s19 =	sld [smem:$0x3FFB];
	_ =	sdelay $0x3  }
0xa: {  	_ =	strace s19  }
0xb: {  	s3 =	sld [smem:$0x3FFC];
	_ =	sdelay $0x3  }
0xc: {  	_ =	strace s3  }
0xd: {  	s3 =	sld [smem:$0x3FFD];
	_ =	sdelay $0x3  }
0xe: {  	_ =	strace s3  }
0xf: {  	_ =	strace $0x8FFFFFFF  }
0x10: {  	s20 =	sld [smem:$0x3FDB];
	_ =	sdelay $0x1  }
0x11: {  	s4 =	simm.s32 $_scs_section_size  }
0x12: {  	s5 =	simm.s32 $_size__tile_overlayer_lowered;
	s6 =	simm.s32 $_tile_overlayer_lowered  }
0x13: {  	s23 =	simm.s32 $0x1BFF;
	s22 =	sshll.u32 s6, $0x1;
	s3 =	sadd.s32 s4, s20  }
0x14: {  	s7 =	simm.s32 $0x0;
	s21 =	sshll.u32 s5, $0x1;
	s5 =	sadd.s32 s22, s3  }
0x15: {  	[timem:s7], [sflag:s23] =	dma.local [hbm:s5], s21  }
0x16: {  	_ =	swait.ge [sflag:s23], s21  }
0x17: {  	s4 =	ssub.s32 $0x0, s21;
	[sflag:s23] =	ssyncset.done $0x0  }
0x18: {  	[sflag:s23] =	ssyncadd.s32 s4;
	_ =	sdelay $0x1  }
0x19: {  	s24 =	simm.s32 $0x1B8B  }
0x1a: {  	_ =	swait.ge [sflag:s24], $0x1  }
0x1b: {  	[sflag:s24] =	ssyncset.done $0x0  }
0x1c: {  	s26 =	simm.s32 $0x1B8E;
	s25 =	sld [smem:$0x3FFE];
	[sflag:s24] =	ssyncadd.s32 $0xFFFFFFFF  }
0x1d: {  	s27 =	simm.s32 $execute0_lowered;
	[smem:$0x3FD2] =	sst s26  }
0x1e: {  	s5 =	sshll.u32 s27, $0x1;
	_ =	strace $0x8000004C;
	[dreg:$0x1] =	wrdreg $0xFFFFFFFF  }
0x1f: {  	s28 =	simm.s32 $_size_execute0_lowered;
	s3 =	sadd.s32 s3, s5;
	[dreg:$0x0] =	wrdreg $0x0  }
0x20: {  	s5 =	sshll.u32 s28, $0x1;
	[dreg:$0x2] =	wrdreg s3  }
0x21: {  	[dreg:$0x3] =	wrdreg s5  }
0x22: {  	[dreg:$0x4] =	wrdreg $0xC0  }
0x23: {  	_ =	task [dreg:s7], $0x5FFFF  }
0x24: {  	[dreg:$0x1] =	wrdreg $0xFFFFFFFF  }
0x25: {  	[dreg:$0x0] =	wrdreg $0x60  }
0x26: {  	[dreg:$0x2] =	wrdreg s25  }
0x27: {  	[dreg:$0x3] =	wrdreg s2  }
0x28: {  	[dreg:$0x4] =	wrdreg $0x9  }
0x29: {  	_ =	task.clear_ibuf [dreg:s7], $0x5FFFF;
	_ =	strace $0x9000004C  }
0x2a: {  	s29 =	simm.s32 $0x9;
	_ =	strace $0x8000004E  }
0x2b: {  	_ =	swait.ge [sflag:s29], $0x1  }
0x2c: {  	[sflag:s29] =	ssyncadd.s32 $0xFFFFFFFF  }
0x2d: {  	_ =	strace $0x9000004E  }
0x2e: {  	_ =	sfence  }
0x2f: {  	s30 =	sld [smem:$0x0];
	_ =	sdelay $0x2  }
0x30: {  	s31 =	sshll.u32 s1, $0xD;
	s1 =	sshrl.u32 s1, $0x2  }
0x31: {  	s3 =	sand.u32 $0x4000, s31;
	s1 =	sadd.s32 s1, s30  }
0x32: {  	s0 =	sor.u32 s3, s0;
	s1 =	sshll.u32 s1, $0x11  }
0x33: {  	s0 =	sor.u32 s1, s0  }
0x34: {  	s0 =	sadd.s32 $0x8F2B, s0  }
0x35: {  	[sflag:s0] =	ssyncadd.remote.s32 $0x1  }
0x36: {  	_ =	sfence.sel $0xFFFF  }
0x37: {  	[dreg:$0x0] =	wrdreg $0xFFFFFFFF;
	(pc) =	sbr.abs _section_cstart, $3  }
0x38: {  	[dreg:$0x1] =	wrdreg $0xFFFFFFFF  }
0x39: {  	_ =	task.clear_ibuf [dreg:s7], $0x2FFFF;
	_ =	strace $0x9FFFFFFF  }
0x3a: {  	(tm) =	ssettm $0x7FFFFFFF  }
0x3b: {  	_ =	shalt  }
tec
execute0_lowered:
.L_overlay_start_1:
0x0: {  	(tag) =	ssettag $0x1  }
0x1: {  	s0 =	rddreg [dreg:$0x0]  }
0x2: {  	s3 =	stileid.u32;
	_ =	strace $0x8000004D;
	s1 =	srdreg.scid  }
0x3: {  	s30 =	simm.s32 $0x1;
	s31 =	simm.s32 $0x2;
	s23 =	simm.s32 $0x0  }
0x4: {  	s12 =	simm.s32 $0x1000;
	s22 =	simm.s32 $0x0;
	s24 =	simm.s32 $0x0  }
0x5: {  	s25 =	simm.s32 $0x0;
	s13 =	simm.s32 $0x0;
	s14 =	simm.s32 $0x0  }
0x6: {  	s15 =	simm.s32 $0x0;
	s17 =	simm.s32 $0x0;
	s16 =	simm.s32 $0x0  }
0x7: {  	s18 =	simm.s32 $0x0;
	s21 =	simm.s32 $0x0;
	s8 =	sand.u32 $0x1, s3  }
0x8: {  	s0 =	sadd.s32 $0x2200, s0;
	s28 =	sshll.u32 s1, $0x4;
	s29 =	ssub.s32 $0x2, s8  }
0x9: {  	[dreg:$0x4] =	wrdreg s0;
	s0 =	sand.u32 $0x10, s28;
	s2 =	sshrl.u32 s29, $0x1  }
.Ltmp0:
0xa: {  	s1 =	sand.u32 $0x1, s29;
	s0 =	sor.u32 s3, s0;
	(pc) =	sbr.rel .LBB1_1-.Ltmp0, $4  }
0xb: {  	[dreg:$0x3] =	wrdreg s8;
	s1 =	sadd.s32 s1, s2;
	s10 =	sshrl.u32 s0, $0x1  }
0xc: {  	[sflag:s30] =	ssyncpa.u1 $0x0;
	s9 =	sshll.u32 s1, $0x6;
	[dreg:$0x6] =	wrdreg s10  }
0xd: {  	[sflag:s31] =	ssyncpa.u1 $0x0;
	s11 =	sor.u32 $0x1, s9;
	[dreg:$0x5] =	wrdreg s9  }
0xe: {  	s20 =	smov.u32 s8;
	s19 =	smov.u32 s10;
	[dreg:$0x7] =	wrdreg s11  }
.LBB1_18:
0xf: {  	s13 =	rddreg [dreg:$0x8]  }
0x10: {  	s14 =	rddreg [dreg:$0x9]  }
0x11: {  	s4 =	rddreg [dreg:$0x16]  }
0x12: {  	s5 =	rddreg [dreg:$0x17]  }
0x13: {  	s23 =	rddreg [dreg:$0x15]  }
0x14: {  	s17 =	rddreg [dreg:$0xc]  }
0x15: {  	s15 =	rddreg [dreg:$0xa]  }
0x16: {  	s27 =	rddreg [dreg:$0x1]  }
0x17: {  	s30 =	rddreg [dreg:$0x18]  }
0x18: {  	s8 =	rddreg [dreg:$0x3]  }
0x19: {  	s9 =	rddreg [dreg:$0x5]  }
0x1a: {  	s10 =	rddreg [dreg:$0x6]  }
0x1b: {  	s11 =	rddreg [dreg:$0x7]  }
0x1c: {  	s16 =	rddreg [dreg:$0xb]  }
0x1d: {  	s18 =	rddreg [dreg:$0xd]  }
0x1e: {  	s19 =	rddreg [dreg:$0xe]  }
0x1f: {  	s12 =	simm.s32 $0x1000;
	s20 =	rddreg [dreg:$0xf]  }
0x20: {  	s0 =	sshll.u32 s13, $0x9;
	s1 =	sshll.u32 s14, $0x3;
	s2 =	sshll.u32 s13, $0x7  }
0x21: {  	p0 =	sgt.s32 s14, $0x180;
	s3 =	smov.u32 s14;
	s25 =	smul.u32 $0x1B0000, s17  }
0x22: {  	s24 =	sand.u32 $0x78, s14;
	s26 =	smul.u32 $0x6C00, s15;
	s28 =	sand.u32 $0x7, s14  }
0x23: {  	s0 =	sand.u32 $0xFFFFF000, s0;
	s1 =	sand.u32 $0xFFFFFC00, s1;
	s21 =	sand.u32 $0x200, s2  }
0x24: {  	s3 =	simm.s32 @!p0 $0x180;
	p0 =	sgt.s32 s13, $0x130;
	s2 =	sand.u32 $0x180, s2  }
0x25: {  	s29 =	sshll.u32 s28, $0x12;
	s0 =	sadd.s32 s1, s0;
	s1 =	smov.u32 s13  }
0x26: {  	s3 =	sadd.s32 s4, s3;
	s2 =	sor.u32 s24, s2;
	s31 =	sor.u32 $0x400, s29  }
0x27: {  	s24 =	rddreg [dreg:$0x13];
	s0 =	sor.u32 s21, s0;
	s1 =	simm.s32 @!p0 $0x130  }
0x28: {  	s4 =	sadd.s32 $0xFFFFFE80, s3;
	s3 =	ssub.s32 $0x200, s3;
	s0 =	sshrl.u32 s0, $0x9  }
0x29: {  	s2 =	sshrl.u32 s2, $0x3;
	s1 =	sadd.s32 s5, s1;
	s22 =	smulhi.u32 $0x97B426, s0  }
0x2a: {  	s21 =	rddreg [dreg:$0x10];
	p0 =	sgt.s32 s4, $0x7F;
	s5 =	sadd.s32 $0xFFFFFED0, s1  }
0x2b: {  	s3 =	simm.s32 @p0 $0x0;
	s1 =	ssub.s32 $0x1B0, s1;
	s4 =	smul.u32 $0x1B0, s22  }
0x2c: {  	p0 =	sgt.s32 s5, $0x7F;
	s3 =	smul.u32 s23, s3;
	s23 =	rddreg [dreg:$0x12]  }
0x2d: {  	s1 =	simm.s32 @p0 $0x0;
	s0 =	ssub.s32 s0, s4;
	s4 =	sadd.s32 s27, s25  }
0x2e: {  	s22 =	rddreg [dreg:$0x11];
	s1 =	smul.u32 s1, s3;
	s3 =	sadd.s32 s26, s4  }
0x2f: {  	s25 =	rddreg [dreg:$0x14];
	s0 =	sshll.u32 s0, $0x6;
	s2 =	sadd.s32 s2, s3  }
0x30: {  	s1 =	sand.u32 $0x3FFFFFFF, s1;
	s4 =	sor.u32 $0x8000, s30;
	s0 =	sadd.s32 s0, s2  }
0x31: {  	[hbm4b:s0+s31] =	stream.strided.scatter [tilespmem:s4], [sflag:$0x2], s1, s12, s31, $0x20;
	[tilespmem:$0x10100] =	vst v63  }
.LBB1_19:
0x32: {  	p0 =	slt.u32 s21, $0x2  }
0x33: {  	s1 =	smov.u32 s25;
	s3 =	smov.u32 s23;
	s5 =	smov.u32 s22  }
0x34: {  	p1 =	sgt.s32 @!p0 s25, $0x1;
	s0 =	sshra.s32 @!p0 s25, $0x1F;
	s2 =	sshra.s32 @!p0 s24, $0x1F  }
0x35: {  	p3 =	sgt.s32 @!p0 s22, $0x180;
	s4 =	sshra.s32 @!p0 s22, $0x1F;
	p1 =	por !p1, p0  }
0x36: {  	s0 =	sand.u32 @!p0 s0, s25;
	s2 =	sand.u32 @!p0 s2, s24;
	s4 =	sand.u32 @!p0 s4, s22  }
0x37: {  	s1 =	simm.s32 @p1 $0x1;
	s0 =	sxor.u32 @!p0 $0xFFFFFFFF, s0;
	p1 =	sgt.s32 @!p0 s24, $0x3F  }
0x38: {  	s0 =	sadd.s32 @!p0 s0, s1;
	p1 =	por !p1, p0;
	s1 =	smov.u32 s24  }
0x39: {  	s22 =	smov.u32 s14;
	p2 =	sgt.s32 @!p0 s0, $0x0;
	s1 =	simm.s32 @p1 $0x3F  }
0x3a: {  	s0 =	ssub.s32 @!p0 $0x1, s0;
	p1 =	por !p2, p0;
	s1 =	ssub.s32 @!p0 s1, s2  }
0x3b: {  	s25 =	smov.u32 s17;
	s0 =	simm.s32 @!p1 $0x0;
	s2 =	sadd.s32 @!p0 $0xFFFFFFC1, s1  }
0x3c: {  	p1 =	sgt.s32 @!p0 s23, $0x130;
	p2 =	sgt.s32 @!p0 s2, $0x0;
	s2 =	sshra.s32 @!p0 s23, $0x1F  }
0x3d: {  	s1 =	ssub.s32 @!p0 $0x40, s1;
	p1 =	por !p1, p0;
	s2 =	sand.u32 @!p0 s2, s23  }
0x3e: {  	s3 =	simm.s32 @p1 $0x130;
	p1 =	por !p3, p0;
	p2 =	por !p2, p0  }
0x3f: {  	s5 =	simm.s32 @p1 $0x180;
	s1 =	simm.s32 @!p2 $0x0;
	s2 =	ssub.s32 @!p0 s3, s2  }
0x40: {  	s3 =	ssub.s32 @!p0 s5, s4;
	s0 =	smul.u32 @!p0 s0, s1;
	s1 =	sadd.s32 @!p0 $0xFFFFFED0, s2  }
0x41: {  	s5 =	smov.u32 s18;
	s4 =	sadd.s32 @!p0 $0xFFFFFE80, s3;
	p1 =	sgt.s32 @!p0 s1, $0x7F  }
0x42: {  	s1 =	ssub.s32 @!p0 $0x1B0, s2;
	s2 =	ssub.s32 @!p0 $0x200, s3;
	p2 =	sgt.s32 @!p0 s4, $0x7F  }
0x43: {  	s3 =	sadd.s32 $0x80, s16;
	s4 =	sadd.s32 $0x80, s18;
	p2 =	por !p2, p0  }
0x44: {  	p1 =	por !p1, p0;
	s2 =	simm.s32 @!p2 $0x0;
	p2 =	sgt.s32 s3, $0x1AF  }
0x45: {  	s1 =	simm.s32 @!p1 $0x0;
	s0 =	smul.u32 @!p0 s2, s0;
	s5 =	smov.u32 @p2 s4  }
0x46: {  	s2 =	sadd.s32 $0x10, s19;
	s4 =	smov.u32 s19;
	p1 =	sgt.s32 s5, $0x1EF  }
0x47: {  	s3 =	simm.s32 @p2 $0x0;
	s0 =	smul.u32 @!p0 s1, s0;
	s4 =	smov.u32 @p1 s2  }
0x48: {  	s1 =	sadd.s32 $0x2, s20;
	s2 =	smov.u32 s20;
	p2 =	sgt.s32 s4, $0x3F  }
0x49: {  	s14 =	smov.u32 s18;
	s17 =	smov.u32 s20;
	s2 =	smov.u32 @p2 s1  }
0x4a: {  	s24 =	smov.u32 s15;
	s5 =	simm.s32 @p1 $0x0;
	p1 =	sgt.s32 s2, $0x1  }
0x4b: {  	s15 =	smov.u32 s19;
	s2 =	smov.u32 @p1 s8;
	p1 =	sne.s32 s21, s11  }
.Ltmp1:
0x4c: {  	s23 =	smov.u32 s13;
	s13 =	smov.u32 s16;
	(pc) =	sbr.rel @!p1 .LBB1_20-.Ltmp1, $4  }
0x4d: {  	s16 =	smov.u32 s3;
	s0 =	sand.u32 @!p0 $0x3FFFFFFF, s0;
	s1 =	simm.s32 @!p0 $0x2  }
0x4e: {  	s18 =	smov.u32 s5;
	s4 =	smov.u32 @p2 s10;
	_ =	swait.ge @!p0 [sflag:s1], s0  }
0x4f: {  	s0 =	ssub.s32 @!p0 $0x0, s0;
	s19 =	smov.u32 s4;
	[sflag:s1] =	ssyncset.done @!p0 $0x0  }
0x50: {  	s21 =	sadd.s32 $0x1, s21;
	[sflag:s1] =	ssyncadd.s32 @!p0 s0;
	s20 =	smov.u32 s2  }
.LBB1_1:
0x51: {  	p0 =	sge.u32 s21, s9  }
.Ltmp2:
0x52: {  	_ = 	snop;
	(pc) =	sbr.rel @p0 .LBB1_3-.Ltmp2, $1  }
0x53: {  	_ =	sdelay $0x3  }
0x54: {  	s0 =	sand.u32 $0x78, s16;
	s1 =	sshll.u32 s18, $0x9  }
0x55: {  	s2 =	sshll.u32 s16, $0x3;
	s3 =	sshll.u32 s18, $0x7;
	p0 =	sgt.s32 s20, $0x1  }
0x56: {  	s7 =	sshra.s32 s20, $0x1F;
	s4 =	smov.u32 s19;
	s5 =	sshra.s32 s19, $0x1F  }
0x57: {  	s27 =	sshra.s32 s18, $0x1F;
	s29 =	sshra.s32 s16, $0x1F;
	s30 =	sxor.u32 $0xFFFFFFFF, s21  }
0x58: {  	s1 =	sand.u32 $0xFFFFF000, s1;
	s2 =	sand.u32 $0xFFFFFC00, s2;
	s6 =	sand.u32 $0x200, s3  }
0x59: {  	s3 =	sand.u32 $0x180, s3;
	s5 =	sand.u32 s5, s19;
	s28 =	sand.u32 s27, s18  }
0x5a: {  	s1 =	sadd.s32 s1, s2;
	s0 =	sor.u32 s0, s3;
	s2 =	smov.u32 s20  }
0x5b: {  	s3 =	sand.u32 s7, s20;
	s1 =	sor.u32 s6, s1;
	s2 =	simm.s32 @!p0 $0x1  }
0x5c: {  	p0 =	sgt.s32 s19, $0x3F;
	s3 =	sxor.u32 $0xFFFFFFFF, s3;
	s0 =	sshrl.u32 s0, $0x3  }
0x5d: {  	s1 =	sshrl.u32 s1, $0x9;
	s4 =	simm.s32 @!p0 $0x3F;
	s2 =	sadd.s32 s3, s2  }
0x5e: {  	s6 =	smulhi.u32 $0x842109, s1;
	s26 =	ssub.s32 s4, s5;
	p0 =	sgt.s32 s2, $0x0  }
0x5f: {  	s2 =	ssub.s32 $0x1, s2;
	s5 =	sand.u32 s29, s16;
	s29 =	sand.u32 $0x7, s16  }
0x60: {  	s4 =	sadd.s32 $0xFFFFFFC1, s26;
	s2 =	simm.s32 @p0 $0x0;
	s3 =	ssub.s32 $0x40, s26  }
0x61: {  	s26 =	smul.u32 $0x7C00, s19;
	p0 =	sgt.s32 s4, $0x0;
	s4 =	smov.u32 s18  }
0x62: {  	s6 =	smul.u32 $0x1F0, s6;
	s3 =	simm.s32 @p0 $0x0;
	p0 =	sgt.s32 s18, $0x170  }
0x63: {  	s2 =	smul.u32 s2, s3;
	s4 =	simm.s32 @!p0 $0x170;
	p0 =	sgt.s32 s16, $0x180  }
0x64: {  	s1 =	ssub.s32 s1, s6;
	s3 =	ssub.s32 s4, s28;
	s4 =	smov.u32 s16  }
0x65: {  	s28 =	rddreg [dreg:$0x4];
	s7 =	sadd.s32 $0xFFFFFE90, s3;
	s4 =	simm.s32 @!p0 $0x180  }
0x66: {  	s3 =	ssub.s32 $0x1F0, s3;
	p0 =	sgt.s32 s7, $0x7F;
	s4 =	ssub.s32 s4, s5  }
0x67: {  	s7 =	smul.u32 $0x1F0000, s20;
	s3 =	simm.s32 @p0 $0x0;
	s31 =	sadd.s32 $0xFFFFFE80, s4  }
0x68: {  	s2 =	smul.u32 s3, s2;
	p0 =	sgt.s32 s31, $0x7F;
	s3 =	ssub.s32 $0x200, s4  }
0x69: {  	s1 =	sshll.u32 s1, $0x6;
	s4 =	sadd.s32 s28, s7;
	s3 =	simm.s32 @p0 $0x0  }
0x6a: {  	s5 =	sshll.u32 s30, $0xE;
	s4 =	sadd.s32 s26, s4;
	s2 =	smul.u32 s3, s2  }
0x6b: {  	s30 =	sshll.u32 s29, $0x12;
	s27 =	sand.u32 $0x4000, s5;
	s0 =	sadd.s32 s0, s4  }
0x6c: {  	s31 =	sor.u32 $0x400, s30;
	s0 =	sadd.s32 s1, s0;
	s2 =	sand.u32 $0x3FFFFFFF, s2  }
0x6d: {  	[tilespmem:s27], [sflag:$0x1] =	stream.strided.gather [hbm4b:s0+s31], s2, s12, s31, $0x38;
	[tilespmem:$0x10100] =	vst v63  }
.LBB1_3:
0x6e: {  	s0 =	sadd.s32 $0xFFFFFFFF, s21  }
0x6f: {  	p0 =	sge.u32 s0, s9  }
.Ltmp3:
0x70: {  	_ = 	snop;
	(pc) =	sbr.rel @p0 .LBB1_19-.Ltmp3, $1  }
0x71: {  	_ =	sdelay $0x3  }
0x72: {  	[dreg:$0x14] =	wrdreg s25  }
0x73: {  	[dreg:$0x13] =	wrdreg s24  }
0x74: {  	[dreg:$0x12] =	wrdreg s23  }
0x75: {  	[dreg:$0x11] =	wrdreg s22  }
0x76: {  	[dreg:$0xf] =	wrdreg s20  }
0x77: {  	[dreg:$0xe] =	wrdreg s19  }
0x78: {  	[dreg:$0xd] =	wrdreg s18  }
0x79: {  	[dreg:$0xb] =	wrdreg s16;
	p0 =	sgt.s32 s17, $0x1;
	s0 =	smov.u32 s17  }
0x7a: {  	s1 =	sshra.s32 s17, $0x1F;
	s2 =	smov.u32 s15;
	s3 =	sshra.s32 s15, $0x1F  }
0x7b: {  	s18 =	ssub.s32 $0x0, s14;
	s19 =	sshra.s32 s14, $0x1F;
	p1 =	sgt.s32 s14, $0x170  }
0x7c: {  	s4 =	smov.u32 s14;
	s23 =	ssub.s32 $0x0, s13;
	s24 =	sshra.s32 s13, $0x1F  }
0x7d: {  	s0 =	simm.s32 @!p0 $0x1;
	s1 =	sand.u32 s1, s17;
	p0 =	sgt.s32 s15, $0x3F  }
0x7e: {  	s16 =	sand.u32 s3, s15;
	s4 =	simm.s32 @!p1 $0x170;
	s1 =	sxor.u32 $0xFFFFFFFF, s1  }
0x7f: {  	s3 =	smov.u32 s13;
	s2 =	simm.s32 @!p0 $0x3F;
	s0 =	sadd.s32 s1, s0  }
0x80: {  	s1 =	ssub.s32 s2, s16;
	s2 =	sand.u32 s18, s19;
	p0 =	sgt.s32 s0, $0x0  }
0x81: {  	s0 =	ssub.s32 $0x1, s0;
	s5 =	sadd.s32 $0xFFFFFFC1, s1;
	s1 =	ssub.s32 $0x40, s1  }
0x82: {  	[dreg:$0x16] =	wrdreg s2;
	s2 =	sadd.s32 s2, s4;
	p1 =	sgt.s32 s5, $0x0  }
0x83: {  	s0 =	simm.s32 @p0 $0x0;
	s20 =	sadd.s32 $0xFFFFFE90, s2;
	s2 =	ssub.s32 $0x1F0, s2  }
0x84: {  	s1 =	simm.s32 @p1 $0x0;
	p0 =	sgt.s32 s20, $0x7F;
	p1 =	sgt.s32 s13, $0x180  }
0x85: {  	s22 =	smul.u32 s0, s1;
	s0 =	sand.u32 s23, s24;
	s3 =	simm.s32 @!p1 $0x180  }
0x86: {  	s2 =	simm.s32 @p0 $0x0;
	[dreg:$0x17] =	wrdreg s0;
	s0 =	sadd.s32 s0, s3  }
0x87: {  	[dreg:$0x8] =	wrdreg s13;
	s25 =	smul.u32 s2, s22;
	s26 =	sadd.s32 $0xFFFFFE80, s0  }
0x88: {  	s0 =	ssub.s32 $0x200, s0;
	s2 =	sadd.s32 $0x1, s17;
	p0 =	sgt.s32 s26, $0x7F  }
0x89: {  	s3 =	sadd.s32 $0x1, s15;
	s0 =	simm.s32 @p0 $0x0;
	p0 =	slt.s32 s2, $0x2  }
0x8a: {  	[dreg:$0xc] =	wrdreg s17;
	s2 =	simm.s32 @!p0 $0x2;
	p0 =	slt.s32 s3, $0x40  }
0x8b: {  	s1 =	sadd.s32 $0x80, s14;
	s2 =	ssub.s32 s2, s17;
	s3 =	simm.s32 @!p0 $0x40  }
0x8c: {  	p1 =	slt.s32 s1, $0x1F0;
	s3 =	ssub.s32 s3, s15;
	p0 =	slt.s32 s2, $0x1  }
0x8d: {  	[dreg:$0xa] =	wrdreg s15;
	s1 =	simm.s32 @!p1 $0x1F0;
	p1 =	slt.s32 @!p0 s3, $0x1  }
0x8e: {  	[dreg:$0x9] =	wrdreg s14;
	s29 =	ssub.s32 s1, s14;
	p1 =	por p0, p1  }
0x8f: {  	[dreg:$0x10] =	wrdreg s21;
	p2 =	slt.s32 @!p1 s29, $0x1  }
0x90: {  	[dreg:$0x15] =	wrdreg s22;
	s0 =	smul.u32 s0, s25;
	p1 =	por p1, p2  }
.Ltmp4:
0x91: {  	s28 =	simm.s32 $0x1;
	[dreg:$0x19] =	wrdreg s2;
	(pc) =	sbr.rel @p1 .LBB1_18-.Ltmp4, $4  }
0x92: {  	s27 =	sand.u32 $0x3FFFFFFF, s0;
	s0 =	sand.u32 $0x1, s21;
	[dreg:$0x1a] =	wrdreg s3  }
0x93: {  	s31 =	smul.u32 $0x4080, s0;
	_ =	swait.ge [sflag:s28], s27  }
0x94: {  	s30 =	ssub.s32 $0x0, s27;
	[sflag:s28] =	ssyncset.done $0x0  }
0x95: {  	[dreg:$0x18] =	wrdreg s31;
	[sflag:s28] =	ssyncadd.s32 s30  }
0x96: {  	s2 =	rddreg [dreg:$0x8]  }
0x97: {  	s1 =	sadd.s32 $0x80, s2  }
0x98: {  	p1 =	slt.s32 s1, $0x1B0  }
0x99: {  	s1 =	simm.s32 @!p1 $0x1B0  }
.Ltmp5:
0x9a: {  	s1 =	ssub.s32 s1, s2;
	(pc) =	sbr.rel .LBB1_6-.Ltmp5, $4  }
0x9b: {  	s0 =	sshll.u32 @!p0 s0, $0xE;
	s3 =	sadd.s32 $0xF, s1  }
0x9c: {  	s9 =	simm.s32 $0x0;
	s1 =	rddreg [dreg:$0x18];
	s30 =	sand.u32 $0xFFFFFFF0, s3  }
0x9d: {  	s31 =	sand.u32 @!p0 $0xFFFFFF00, s3;
	s28 =	sshll.u32 s3, $0x3;
	s1 =	sor.u32 @!p0 $0x8000, s1  }
0x9e: {  	p0 =	slt.s32 s3, $0x100;
	s2 =	sand.u32 $0xFFFFF800, s28;
	p1 =	sge.s32 s31, s30  }
.LBB1_17:
0x9f: {  	s9 =	sadd.s32 $0x1, s9;
	s3 =	rddreg [dreg:$0x19]  }
0xa0: {  	p2 =	sne.s32 s9, s3  }
.Ltmp6:
0xa1: {  	_ = 	snop;
	(pc) =	sbr.rel @!p2 .LBB1_18-.Ltmp6, $1  }
0xa2: {  	_ =	sdelay $0x3  }
.LBB1_6:
.Ltmp7:
0xa3: {  	(pc) =	sbr.rel .LBB1_7-.Ltmp7, $2  }
0xa4: {  	_ =	sdelay $0x2  }
0xa5: {  	s4 =	simm.s32 $0x0  }
.LBB1_16:
0xa6: {  	s4 =	sadd.s32 $0x1, s4;
	s3 =	rddreg [dreg:$0x1a]  }
0xa7: {  	p2 =	sne.s32 s4, s3  }
.Ltmp8:
0xa8: {  	_ = 	snop;
	(pc) =	sbr.rel @!p2 .LBB1_17-.Ltmp8, $1  }
0xa9: {  	_ =	sdelay $0x3  }
.LBB1_7:
.Ltmp9:
0xaa: {  	s3 =	sadd.s32 s9, s4;
	(pc) =	sbr.rel .LBB1_8-.Ltmp9, $3  }
0xab: {  	s5 =	sshll.u32 s3, $0x10;
	s3 =	smul.u32 $0x10200, s3;
	_ =	sdelay $0x1  }
0xac: {  	s7 =	simm.s32 $0x0;
	s5 =	sshra.s32 s5, $0x2;
	s3 =	sshra.s32 s3, $0x2  }
0xad: {  	s5 =	sadd.s32 s5, s0;
	s8 =	sadd.s32 s3, s1;
	s3 =	simm.s32 $0x400  }
.LBB1_15:
0xae: {  	s7 =	sadd.s32 $0x1, s7  }
0xaf: {  	p2 =	sne.s32 s7, s29  }
.Ltmp10:
0xb0: {  	_ = 	snop;
	(pc) =	sbr.rel @!p2 .LBB1_16-.Ltmp10, $2  }
0xb1: {  	_ =	sdelay $0x2  }
0xb2: {  	s3 =	sadd.s32 $0x80, s3  }
.LBB1_8:
.Ltmp11:
0xb3: {  	(pc) =	sbr.rel @p0 .LBB1_12-.Ltmp11, $2  }
0xb4: {  	_ =	sdelay $0x2  }
0xb5: {  	s6 =	sshll.u32 s7, $0x7;
	s26 =	sand.u32 $0x7F, s7  }
0xb6: {  	s11 =	sshll.u32 s7, $0x3;
	s15 =	sand.u32 $0x380, s6  }
0xb7: {  	s10 =	sshrl.u32 s11, $0x7;
	s13 =	sadd.s32 $0x800, s11;
	s16 =	sadd.s32 $0x1000, s11  }
0xb8: {  	s18 =	sadd.s32 s15, s5;
	s21 =	sadd.s32 $0x1800, s11;
	s28 =	sadd.s32 $0x2800, s11  }
0xb9: {  	s17 =	sadd.s32 $0x3000, s11;
	s11 =	sadd.s32 $0x3800, s11;
	s12 =	sand.u32 $0x78, s10  }
0xba: {  	s13 =	sshrl.u32 s13, $0x7;
	s20 =	sshrl.u32 s16, $0x7;
	s16 =	sshrl.u32 s21, $0x7  }
0xbb: {  	s21 =	sshrl.u32 s17, $0x7;
	s11 =	sshrl.u32 s11, $0x7;
	s17 =	sadd.s32 $0x30, s10  }
0xbc: {  	v0 =	vmov s18;
	s18 =	sand.u32 $0x3C00, s3;
	s14 =	smul.u32 $0x204, s12;
	s13 =	sand.u32 $0x78, s13  }
0xbd: {  	s15 =	sand.u32 $0x78, s20;
	s22 =	sand.u32 $0x78, s16;
	s13 =	smul.u32 $0x204, s13  }
0xbe: {  	s12 =	sxor.u32 $0x40, s12;
	s16 =	sshrl.u32 s28, $0x7;
	s15 =	smul.u32 $0x204, s15  }
0xbf: {  	s11 =	sand.u32 $0x78, s11;
	s12 =	smul.u32 $0x204, s12;
	s14 =	sshrl.u32 s14, $0x2  }
0xc0: {  	s11 =	smul.u32 $0x204, s11;
	s14 =	sadd.s32 s14, s8;
	s13 =	sshrl.u32 s13, $0x2  }
0xc1: {  	s25 =	sshrl.u32 s15, $0x2;
	s12 =	sshrl.u32 s12, $0x2;
	s13 =	sadd.s32 s13, s8  }
0xc2: {  	s23 =	sadd.s32 s26, s14;
	s14 =	sadd.s32 s25, s8;
	s24 =	sadd.s32 s26, s13  }
0xc3: {  	s13 =	smul.u32 $0x204, s22;
	s25 =	sadd.s32 s26, s14;
	s14 =	sand.u32 $0x78, s16  }
0xc4: {  	s15 =	sadd.s32 $0x10, s10;
	s11 =	sshrl.u32 s11, $0x2;
	s14 =	smul.u32 $0x204, s14  }
0xc5: {  	s12 =	sadd.s32 s12, s8;
	s11 =	sadd.s32 s11, s8;
	s13 =	sshrl.u32 s13, $0x2  }
0xc6: {  	s19 =	sadd.s32 s26, s12;
	s13 =	sadd.s32 s13, s8;
	s22 =	sshrl.u32 s14, $0x2  }
0xc7: {  	s12 =	sand.u32 $0x78, s21;
	s20 =	sadd.s32 s26, s13;
	s13 =	sadd.s32 s22, s8  }
0xc8: {  	s28 =	smul.u32 $0x204, s12;
	s12 =	sadd.s32 s26, s13;
	s13 =	sand.u32 $0x78, s15  }
0xc9: {  	s16 =	sadd.s32 $0x20, s10;
	s21 =	sadd.s32 s26, s11;
	s13 =	smul.u32 $0x204, s13  }
0xca: {  	s14 =	sshrl.u32 s28, $0x2;
	s22 =	sadd.s32 $0x50, s10;
	s15 =	sand.u32 $0x78, s16  }
0xcb: {  	s16 =	sand.u32 $0x78, s22;
	s15 =	smul.u32 $0x204, s15;
	s13 =	sshrl.u32 s13, $0x2  }
0xcc: {  	v1 =	vld.idx.msk [tilespmem:v0+s18+$0x0 ss:$0x1], $0xffff;
	s11 =	sadd.s32 s13, s8;
	s13 =	sand.u32 $0x78, s17;
	s17 =	sadd.s32 $0x60, s10  }
0xcd: {  	s27 =	smul.u32 $0x204, s16;
	s15 =	sshrl.u32 s15, $0x2;
	s28 =	sand.u32 $0x78, s17  }
0xce: {  	s15 =	sadd.s32 s15, s8;
	s17 =	smul.u32 $0x204, s28  }
0xcf: {  	s16 =	sadd.s32 s26, s11;
	s22 =	sadd.s32 s26, s15;
	s15 =	sshrl.u32 s27, $0x2  }
0xd0: {  	s11 =	sadd.s32 s15, s8;
	s28 =	sadd.s32 $0xFFFFFC00, s3;
	s17 =	sshrl.u32 s17, $0x2  }
0xd1: {  	[tilespmem:s23+$0x0 ss:$0x81] =	vst.msk $0xffff, v1;
	v1 =	vld.idx.msk [tilespmem:v0+s18+$0x20 ss:$0x1], $0xffff;
	s15 =	sadd.s32 s17, s8;
	s17 =	sadd.s32 s26, s11;
	s11 =	sand.u32 $0x3C00, s28  }
0xd2: {  	v2 =	vld.idx.msk [tilespmem:v0+s11+$0x70 ss:$0x1], $0xffff  }
0xd3: {  	v3 =	vld.idx.msk [tilespmem:v0+s11+$0x0 ss:$0x1], $0xffff  }
0xd4: {  	v4 =	vld.idx.msk [tilespmem:v0+s11+$0x10 ss:$0x1], $0xffff  }
0xd5: {  	v5 =	vld.idx.msk [tilespmem:v0+s11+$0x20 ss:$0x1], $0xffff  }
0xd6: {  	v6 =	vld.idx.msk [tilespmem:v0+s11+$0x30 ss:$0x1], $0xffff  }
0xd7: {  	s10 =	sadd.s32 $0x70, s10;
	v7 =	vld.idx.msk [tilespmem:v0+s11+$0x40 ss:$0x1], $0xffff;
	[tilespmem:s21+$0x0 ss:$0x81] =	vst.msk $0xffff, v2  }
0xd8: {  	s13 =	smul.u32 $0x204, s13;
	s10 =	sand.u32 $0x78, s10;
	v8 =	vld.idx.msk [tilespmem:v0+s11+$0x50 ss:$0x1], $0xffff;
	[tilespmem:s23+$0x0 ss:$0x81] =	vst.msk $0xffff, v3  }
0xd9: {  	p2 =	sgt.s32 s31, $0x100;
	s10 =	smul.u32 $0x204, s10;
	v9 =	vld.idx.msk [tilespmem:v0+s11+$0x60 ss:$0x1], $0xffff;
	[tilespmem:s24+$0x0 ss:$0x81] =	vst.msk $0xffff, v4  }
.Ltmp12:
0xda: {  	v4 =	vld.idx.msk [tilespmem:v0+s18+$0x10 ss:$0x1], $0xffff;
	[tilespmem:s25+$0x0 ss:$0x81] =	vst.msk $0xffff, v5;
	(pc) =	sbr.rel @!p2 .LBB1_11-.Ltmp12, $4  }
0xdb: {  	s14 =	sadd.s32 s14, s8;
	s13 =	sshrl.u32 s13, $0x2;
	[tilespmem:s20+$0x0 ss:$0x81] =	vst.msk $0xffff, v6;
	v2 =	vld.idx.msk [tilespmem:v0+s18+$0x30 ss:$0x1], $0xffff  }
0xdc: {  	s14 =	sadd.s32 s26, s14;
	s13 =	sadd.s32 s13, s8;
	s10 =	sshrl.u32 s10, $0x2;
	[tilespmem:s19+$0x0 ss:$0x81] =	vst.msk $0xffff, v7;
	v3 =	vld.idx.msk [tilespmem:v0+s18+$0x40 ss:$0x1], $0xffff  }
0xdd: {  	s13 =	sadd.s32 s26, s13;
	s27 =	sadd.s32 s10, s8;
	s10 =	sadd.s32 s26, s15;
	[tilespmem:s12+$0x0 ss:$0x81] =	vst.msk $0xffff, v8;
	v5 =	vld.idx.msk [tilespmem:v0+s18+$0x50 ss:$0x1], $0xffff  }
0xde: {  	s15 =	sadd.s32 s26, s27;
	s11 =	simm.s32 $0x100;
	s27 =	sadd.s32 $0x800, s3;
	[tilespmem:s14+$0x0 ss:$0x81] =	vst.msk $0xffff, v9;
	v6 =	vld.idx.msk [tilespmem:v0+s18+$0x60 ss:$0x1], $0xffff  }
.LBB1_10:
0xdf: {  	s28 =	sadd.s32 $0xFFFFFC00, s27;
	s11 =	sadd.s32 $0x100, s11;
	[tilespmem:s16+$0x0 ss:$0x81] =	vst.msk $0xffff, v4;
	v4 =	vld.idx.msk [tilespmem:v0+s18+$0x70 ss:$0x1], $0xffff;
	s18 =	sand.u32 $0x3C00, s27  }
0xe0: {  	s28 =	sand.u32 $0x3C00, s28;
	v7 =	vld.idx.msk [tilespmem:v0+s18+$0x0 ss:$0x1], $0xffff;
	p2 =	slt.s32 s11, s31;
	[tilespmem:s22+$0x0 ss:$0x81] =	vst.msk $0xffff, v1  }
0xe1: {  	v1 =	vld.idx.msk [tilespmem:v0+s28+$0x70 ss:$0x1], $0xffff;
	[tilespmem:s13+$0x0 ss:$0x81] =	vst.msk $0xffff, v2  }
0xe2: {  	v2 =	vld.idx.msk [tilespmem:v0+s28+$0x0 ss:$0x1], $0xffff;
	[tilespmem:s19+$0x0 ss:$0x81] =	vst.msk $0xffff, v3  }
0xe3: {  	v3 =	vld.idx.msk [tilespmem:v0+s28+$0x10 ss:$0x1], $0xffff;
	[tilespmem:s17+$0x0 ss:$0x81] =	vst.msk $0xffff, v5  }
0xe4: {  	v5 =	vld.idx.msk [tilespmem:v0+s28+$0x20 ss:$0x1], $0xffff;
	[tilespmem:s10+$0x0 ss:$0x81] =	vst.msk $0xffff, v6  }
0xe5: {  	v6 =	vld.idx.msk [tilespmem:v0+s28+$0x30 ss:$0x1], $0xffff;
	[tilespmem:s15+$0x0 ss:$0x81] =	vst.msk $0xffff, v4  }
0xe6: {  	v8 =	vld.idx.msk [tilespmem:v0+s28+$0x40 ss:$0x1], $0xffff;
	[tilespmem:s23+$0x0 ss:$0x81] =	vst.msk $0xffff, v7  }
0xe7: {  	v7 =	vld.idx.msk [tilespmem:v0+s28+$0x50 ss:$0x1], $0xffff;
	[tilespmem:s21+$0x0 ss:$0x81] =	vst.msk $0xffff, v1  }
0xe8: {  	[tilespmem:s23+$0x0 ss:$0x81] =	vst.msk $0xffff, v2;
	v9 =	vld.idx.msk [tilespmem:v0+s28+$0x60 ss:$0x1], $0xffff  }
0xe9: {  	[tilespmem:s24+$0x0 ss:$0x81] =	vst.msk $0xffff, v3;
	v4 =	vld.idx.msk [tilespmem:v0+s18+$0x10 ss:$0x1], $0xffff  }
.Ltmp13:
0xea: {  	[tilespmem:s25+$0x0 ss:$0x81] =	vst.msk $0xffff, v5;
	v1 =	vld.idx.msk [tilespmem:v0+s18+$0x20 ss:$0x1], $0xffff;
	(pc) =	sbr.rel @p2 .LBB1_10-.Ltmp13, $4  }
0xeb: {  	[tilespmem:s20+$0x0 ss:$0x81] =	vst.msk $0xffff, v6;
	v2 =	vld.idx.msk [tilespmem:v0+s18+$0x30 ss:$0x1], $0xffff  }
0xec: {  	[tilespmem:s19+$0x0 ss:$0x81] =	vst.msk $0xffff, v8;
	v3 =	vld.idx.msk [tilespmem:v0+s18+$0x40 ss:$0x1], $0xffff  }
0xed: {  	[tilespmem:s12+$0x0 ss:$0x81] =	vst.msk $0xffff, v7;
	v5 =	vld.idx.msk [tilespmem:v0+s18+$0x50 ss:$0x1], $0xffff  }
0xee: {  	s27 =	sadd.s32 $0x800, s27;
	[tilespmem:s14+$0x0 ss:$0x81] =	vst.msk $0xffff, v9;
	v6 =	vld.idx.msk [tilespmem:v0+s18+$0x60 ss:$0x1], $0xffff  }
.LBB1_11:
0xef: {  	_ =	sdelay $0x2  }
0xf0: {  	[tilespmem:s16+$0x0 ss:$0x81] =	vst.msk $0xffff, v4  }
0xf1: {  	v0 =	vld.idx.msk [tilespmem:v0+s18+$0x70 ss:$0x1], $0xffff;
	[tilespmem:s22+$0x0 ss:$0x81] =	vst.msk $0xffff, v1  }
0xf2: {  	[tilespmem:s13+$0x0 ss:$0x81] =	vst.msk $0xffff, v2  }
0xf3: {  	[tilespmem:s19+$0x0 ss:$0x81] =	vst.msk $0xffff, v3  }
0xf4: {  	[tilespmem:s17+$0x0 ss:$0x81] =	vst.msk $0xffff, v5  }
0xf5: {  	[tilespmem:s10+$0x0 ss:$0x81] =	vst.msk $0xffff, v6  }
0xf6: {  	[tilespmem:s15+$0x0 ss:$0x81] =	vst.msk $0xffff, v0  }
.LBB1_12:
.Ltmp14:
0xf7: {  	(pc) =	sbr.rel @p1 .LBB1_15-.Ltmp14, $1  }
0xf8: {  	_ =	sdelay $0x3  }
0xf9: {  	s11 =	sand.u32 $0x380, s6;
	s10 =	sshrl.u32 s7, $0x4;
	s12 =	sadd.s32 s26, s8  }
0xfa: {  	s13 =	smov.u32 s2;
	s14 =	smov.u32 s31;
	s11 =	sadd.s32 s11, s5  }
.LBB1_14:
0xfb: {  	s15 =	sand.u32 $0x3C00, s13  }
0xfc: {  	s15 =	sadd.s32 s6, s15  }
0xfd: {  	s15 =	sand.u32 $0x3C00, s15  }
0xfe: {  	s16 =	sand.u32 $0x70, s14;
	s27 =	sadd.s32 s14, s10;
	s15 =	sadd.s32 s15, s11  }
0xff: {  	s14 =	sadd.s32 $0x10, s14;
	s28 =	sand.u32 $0x78, s27;
	s15 =	sadd.s32 s16, s15  }
0x100: {  	p2 =	slt.s32 s14, s30;
	v0 =	vld [tilespmem:s15+$0x0];
	s15 =	smul.u32 $0x204, s28  }
.Ltmp15:
0x101: {  	_ = 	snop;
	(pc) =	sbr.rel @p2 .LBB1_14-.Ltmp15, $4  }
0x102: {  	_ = 	snop  }
0x103: {  	s15 =	sshrl.u32 s15, $0x2  }
0x104: {  	s15 =	sadd.s32 s15, s12  }
0x105: {  	s13 =	sadd.s32 $0x80, s13;
	[tilespmem:s15+$0x0 ss:$0x81] =	vst.msk $0xffff, v0  }
.Ltmp16:
0x106: {  	_ = 	snop;
	(pc) =	sbr.rel .LBB1_15-.Ltmp16, $1  }
0x107: {  	_ =	sdelay $0x3  }
.LBB1_20:
0x108: {  	_ =	sfence.sel $0x180000  }
0x109: {  	s0 =	simm.s32 $0x1;
	[bflag:$0x0] =	sbarrier.arrive $0xFFFF  }
0x10a: {  	s30 =	simm.s32 $0x2;
	[sflag:s0] =	ssyncpa.u1 $0x1  }
0x10b: {  	[sflag:s30] =	ssyncpa.u1 $0x1  }
0x10c: {  	_ =	strace $0x9000004D  }
0x10d: {  	s31 =	stileid.u32;
	[bflag:$0x2] =	sbarrier.arrive $0xFFFF  }
0x10e: {  	p0 =	sne.s32 s31, $0x0;
	s0 =	rddreg [dreg:$0x2]  }
0x10f: {  	s0 =	sadd.s32 @!p0 $0x100000, s0  }
0x110: {  	[sflag:s0] =	ssyncadd.tile.s32 @!p0 $0x1;
	_ =	shalt  }
.Lfunc_end1:
_tile_overlayer_lowered:
.L_overlay_start_2:
0x111: {  	(tag) =	ssettag $0x2  }
0x112: {  	s0 =	rddreg [dreg:$0x0];
	s2 =	stileid.u32  }
0x113: {  	s1 =	rddreg [dreg:$0x1];
	p0 =	sne.s32 s2, $0x0  }
0x114: {  	s3 =	rddreg [dreg:$0x2];
	[bflag:$0x3] =	sbarrier.arrive $0xFFFF;
	s2 =	simm.s32 @!p0 $0x1C01  }
0x115: {  	[timem:s3], [sflag:s2] =	dma.local @!p0 [hbm:s0], s1  }
0x116: {  	s0 =	simm.s32 @!p0 $0x1  }
0x117: {  	_ =	swait.ge @!p0 [sflag:s0], s1  }
0x118: {  	s1 =	ssub.s32 @!p0 $0x0, s1;
	[sflag:s0] =	ssyncset.done @!p0 $0x0  }
0x119: {  	[sflag:s0] =	ssyncadd.s32 @!p0 s1  }
0x11a: {  	[bflag:$0x3] =	sbarrier.arrive $0xFFFF  }
0x11b: {  	_ =	shalt  }

</sc_bundles>
